<compile_context>
chip_gen: v7x
topology: tpu7x:2x2x1
jax: 0.10.2.dev20260603
libtpu: 0.0.44.dev20260713+nightly
codegen_flags: <defaults>
</compile_context>

<pallas_src>
import functools

import jax
import jax.numpy as jnp
from jax import lax
from jax.experimental import pallas as pl
from jax.experimental.pallas import tpu as pltpu
from jax.experimental.pallas import tpu_sc as plsc

_MAX = 255
_D = 20
_TS = _D + 1
_NC, _NS, _L = 2, 16, 16
_NW = _NC * _NS
_RB = 16


@functools.partial(jax.jit, static_argnums=(2, 3))
def _gather(table, idx, rows, feat):
    n = rows * feat
    per_w = rows // _NW
    nblk = per_w // _RB
    assert nblk % 2 == 0 and nblk >= 4
    bl = _RB * feat
    fd = feat * _D
    mesh = plsc.VectorSubcoreMesh(core_axis_name="c", subcore_axis_name="s")

    @functools.partial(
        pl.kernel,
        out_type=jax.ShapeDtypeStruct((rows, fd), jnp.float32),
        mesh=mesh,
        compiler_params=pltpu.CompilerParams(needs_layout_passes=False),
        scratch_types=[
            pltpu.VMEM(((_MAX + 1) * _TS,), jnp.float32),
            pltpu.VMEM((bl,), jnp.int32),
            pltpu.VMEM((bl,), jnp.int32),
            pltpu.VMEM((bl * _D,), jnp.float32),
            pltpu.VMEM((_RB, fd), jnp.float32),
            pltpu.VMEM((_RB, fd), jnp.float32),
            pltpu.SemaphoreType.DMA,
            pltpu.SemaphoreType.DMA,
            pltpu.SemaphoreType.DMA,
            pltpu.SemaphoreType.DMA,
        ],
    )
    def k(table_hbm, idx_hbm, out_hbm, table_v,
          idx0, idx1, out_f, outv0, outv1, isem0, isem1, osem0, osem1):
        wid = lax.axis_index("s") * _NC + lax.axis_index("c")
        pltpu.sync_copy(table_hbm, table_v)
        lane = lax.iota(jnp.int32, _L) * _D
        row0 = wid * per_w

        idx_bufs = (idx0, idx1)
        out_bufs = (outv0, outv1)
        isems = (isem0, isem1)
        osems = (osem0, osem1)

        pltpu.async_copy(idx_hbm.at[pl.ds(row0 * feat, bl)], idx0, isem0)
        pltpu.async_copy(
            idx_hbm.at[pl.ds((row0 + _RB) * feat, bl)], idx1, isem1)

        def half(j, t):
            b = j * 2 + t
            rbase = row0 + b * _RB
            idx_v, out_v = idx_bufs[t], out_bufs[t]
            isem, osem = isems[t], osems[t]
            pltpu.make_async_copy(
                idx_hbm.at[pl.ds(rbase * feat, bl)], idx_v, isem).wait()

            @pl.when(j > 0)
            def _():
                pltpu.make_async_copy(
                    out_v, out_hbm.at[pl.ds(rbase, _RB), :], osem).wait()

            @plsc.parallel_loop(0, bl // _L)
            def _grp(g):
                iv = idx_v[pl.ds(g * _L, _L)]
                iv = jnp.minimum(jnp.maximum(iv, 0), _MAX) * _TS
                obase = lane + g * (_L * _D)
                vals = [plsc.load_gather(table_v, [iv + d]) for d in range(2)]
                for d in range(2):
                    plsc.store_scatter(out_f, [obase + d], vals[d])

            @plsc.parallel_loop(0, _RB)
            def _rearr(r):
                for t in range(2):
                    nk = min(8, (fd - t * 128 + 15) // 16)
                    for kk in range(nk):
                        c = t * 128 + kk * 16
                        out_v[r, pl.ds(c, _L)] = out_f[pl.ds(r * fd + c, _L)]

            pltpu.async_copy(out_v, out_hbm.at[pl.ds(rbase, _RB), :], osem)

            @pl.when(b + 2 < nblk)
            def _():
                pltpu.async_copy(
                    idx_hbm.at[pl.ds((rbase + 2 * _RB) * feat, bl)],
                    idx_v, isem)

        def blk2(j, carry):
            half(j, 0)
            half(j, 1)
            return carry

        lax.fori_loop(0, nblk // 2, blk2, 0)
        pltpu.make_async_copy(
            outv0,
            out_hbm.at[pl.ds(row0 + (nblk - 2) * _RB, _RB), :], osem0).wait()
        pltpu.make_async_copy(
            outv1,
            out_hbm.at[pl.ds(row0 + (nblk - 1) * _RB, _RB), :], osem1).wait()

    return k(table, idx)


def kernel(tensor, int_to_feat_matrix, extra_embeddings):
    orig_shape = tensor.shape
    feat = orig_shape[-1]
    idx = tensor.reshape(-1).astype(jnp.int32)
    rows = idx.shape[0] // feat
    table = jnp.concatenate(
        [int_to_feat_matrix, extra_embeddings[:1]], axis=0)
    table = jnp.pad(table, ((0, 0), (0, 1))).reshape(-1)
    out = _gather(table, idx, rows, feat)
    return out.reshape(*orig_shape[:-1], feat * _D)

# --- scband reference (transcript-rebuilt; emitter-appended) ---
"""Pipeline reference for scband-fourier-featurizer-9826885173955 (READ-ONLY COPY).

The authoritative reference and input builder live on the scoring server;
editing this copy changes nothing except your own understanding.
"""

import jax, jax.numpy as jnp
import numpy as np

MAX_COUNT_INT = 255
NUM_EXTRA_EMBEDDINGS = 1


def _build_fourier_table():
    num_freqs = int(np.ceil(np.log2(MAX_COUNT_INT))) + 2  # 10
    freqs = 0.5 ** jnp.arange(num_freqs, dtype=jnp.float32)
    freqs_time_2pi = 2.0 * np.pi * freqs
    combo = jnp.arange(MAX_COUNT_INT, dtype=jnp.float32)[:, None] * freqs_time_2pi[None, :]
    all_features = jnp.concatenate([jnp.cos(combo), jnp.sin(combo)], axis=1)  # [255, 20]
    return all_features.astype(jnp.float32)


def setup_inputs(seed: int = 0) -> dict:
    key = jax.random.key(seed)
    k1, k2 = jax.random.split(key)
    tensor = jax.random.randint(k1, (16384, 100), 0, 256, dtype=jnp.int64)
    int_to_feat_matrix = _build_fourier_table()  # frozen buffer-like param [255, 20]
    embedding_dim = int_to_feat_matrix.shape[1]  # 20
    extra_embeddings = jax.random.normal(k2, (NUM_EXTRA_EMBEDDINGS, embedding_dim), dtype=jnp.float32)
    return {"tensor": tensor, "int_to_feat_matrix": int_to_feat_matrix, "extra_embeddings": extra_embeddings}


def reference(tensor, int_to_feat_matrix, extra_embeddings):
    orig_shape = tensor.shape
    idx = tensor.astype(jnp.int32)
    extra_mask = idx >= MAX_COUNT_INT  # [B, F]
    # gather from the fixed Fourier table (clamp to keep in-range; masked out below)
    norm_embeds = jnp.take(int_to_feat_matrix, jnp.clip(idx, 0, MAX_COUNT_INT - 1), axis=0)  # [B, F, 20]
    extra_idx = jnp.clip(idx - MAX_COUNT_INT, 0, NUM_EXTRA_EMBEDDINGS - 1)
    extra_embeds = jnp.take(extra_embeddings, extra_idx, axis=0)  # [B, F, 20]
    out_tensor = jnp.where(extra_mask[..., None], extra_embeds, norm_embeds)
    return out_tensor.reshape(*orig_shape[:-1], -1)  # [B, F*20]

if __name__ == "__main__":
    import jax
    _d = setup_inputs()
    print(jax.jit(kernel)(*tuple(_d.values())))

</pallas_src>

<mosaic_0001>
#map = affine_map<(d0, d1) -> (0)>
#map1 = affine_map<(d0, d1) -> (0, 0)>
module attributes {stable_mosaic.version = 14 : i64} {
  func.func @k(%arg0: i32, %arg1: i32, %arg2: memref<5376xf32, #tpu.memory_space<hbm>>, %arg3: memref<1638400xi32, #tpu.memory_space<hbm>>, %arg4: memref<16384x2000xf32, #tpu.memory_space<hbm>>, %arg5: memref<5376xf32, #tpu.memory_space<vmem>>, %arg6: memref<1600xi32, #tpu.memory_space<vmem>>, %arg7: memref<1600xi32, #tpu.memory_space<vmem>>, %arg8: memref<32000xf32, #tpu.memory_space<vmem>>, %arg9: memref<16x2000xf32, #tpu.memory_space<vmem>>, %arg10: memref<16x2000xf32, #tpu.memory_space<vmem>>, %arg11: memref<!tpu.dma_semaphore, #tpu.memory_space<semaphore_mem>>, %arg12: memref<!tpu.dma_semaphore, #tpu.memory_space<semaphore_mem>>, %arg13: memref<!tpu.dma_semaphore, #tpu.memory_space<semaphore_mem>>, %arg14: memref<!tpu.dma_semaphore, #tpu.memory_space<semaphore_mem>>) attributes {dimension_semantics = [#tpu.dimension_semantics<core_parallel>, #tpu.dimension_semantics<subcore_parallel>], iteration_bounds = array<i64: 2, 16>, scalar_prefetch = 0 : i64, scratch_operands = 10 : i64, tpu.core_type = #tpu.core_type<sc_vector_subcore>, window_params = [{transform_indices = #map}, {transform_indices = #map}, {transform_indices = #map1}]} {
    %mul3A = arith.constant 2 : i32
    %mul3A_0 = arith.muli %arg1, %mul3A : i32
    %add3A = arith.addi %mul3A_0, %arg0 : i32
    "tpu.region"() ({
      %run_scoped3A = tpu.sem_alloc : memref<!tpu.dma_semaphore, #tpu.memory_space<semaphore_mem>>
      tpu.enqueue_dma source(%arg2 : memref<5376xf32, #tpu.memory_space<hbm>>) target(%arg5 : memref<5376xf32, #tpu.memory_space<vmem>>) target_semaphore(%run_scoped3A : memref<!tpu.dma_semaphore, #tpu.memory_space<semaphore_mem>>)
      tpu.wait_dma2 semaphore(%run_scoped3A : memref<!tpu.dma_semaphore, #tpu.memory_space<semaphore_mem>>) src(%arg2 : memref<5376xf32, #tpu.memory_space<hbm>>) dst(%arg5 : memref<5376xf32, #tpu.memory_space<vmem>>)
      tpu.yield
    }) : () -> ()
    %iota3A = tpu.iota {dimensions = array<i32: 0>} : vector<16xi32>
    %mul3A_1 = arith.constant 20 : i32
    %mul3A_2 = vector.broadcast %mul3A_1 : i32 to vector<16xi32>
    %mul3A_3 = arith.muli %iota3A, %mul3A_2 : vector<16xi32>
    %mul3A_4 = arith.constant 512 : i32
    %mul3A_5 = arith.muli %add3A, %mul3A_4 : i32
    %mul3A_6 = arith.constant 100 : i32
    %mul3A_7 = arith.muli %mul3A_5, %mul3A_6 : i32
    %dma_start3A = tpu.memref_slice %arg3[%mul3A_7] : memref<1638400xi32, #tpu.memory_space<hbm>> -> memref<1600xi32, #tpu.memory_space<hbm>>
    %dma_start3A_8 = tpu.memref_slice %arg3[%mul3A_7] : memref<1638400xi32, #tpu.memory_space<hbm>> -> memref<1600xi32, #tpu.memory_space<hbm>>
    tpu.enqueue_dma source(%dma_start3A_8 : memref<1600xi32, #tpu.memory_space<hbm>>) target(%arg6 : memref<1600xi32, #tpu.memory_space<vmem>>) target_semaphore(%arg11 : memref<!tpu.dma_semaphore, #tpu.memory_space<semaphore_mem>>)
    %add3A_9 = arith.constant 16 : i32
    %add3A_10 = arith.addi %mul3A_5, %add3A_9 : i32
    %mul3A_11 = arith.constant 100 : i32
    %mul3A_12 = arith.muli %add3A_10, %mul3A_11 : i32
    %dma_start3A_13 = tpu.memref_slice %arg3[%mul3A_12] : memref<1638400xi32, #tpu.memory_space<hbm>> -> memref<1600xi32, #tpu.memory_space<hbm>>
    %dma_start3A_14 = tpu.memref_slice %arg3[%mul3A_12] : memref<1638400xi32, #tpu.memory_space<hbm>> -> memref<1600xi32, #tpu.memory_space<hbm>>
    tpu.enqueue_dma source(%dma_start3A_14 : memref<1600xi32, #tpu.memory_space<hbm>>) target(%arg7 : memref<1600xi32, #tpu.memory_space<vmem>>) target_semaphore(%arg12 : memref<!tpu.dma_semaphore, #tpu.memory_space<semaphore_mem>>)
    %scan3A = arith.constant 0 : i32
    %scan3A_15 = arith.constant 0 : i32
    %scan3A_16 = arith.constant 16 : i32
    %scan3A_17 = arith.addi %scan3A_15, %scan3A_16 : i32
    %scan3A_18 = arith.constant 1 : i32
    scf.for %scan3A_31 = %scan3A_15 to %scan3A_17 step %scan3A_18  : i32 {
      %mul3A_32 = arith.constant 2 : i32
      %mul3A_33 = arith.muli %scan3A_31, %mul3A_32 : i32
      %add3A_34 = arith.constant 0 : i32
      %add3A_35 = arith.addi %mul3A_33, %add3A_34 : i32
      %mul3A_36 = arith.constant 16 : i32
      %mul3A_37 = arith.muli %add3A_35, %mul3A_36 : i32
      %add3A_38 = arith.addi %mul3A_5, %mul3A_37 : i32
      %mul3A_39 = arith.constant 100 : i32
      %mul3A_40 = arith.muli %add3A_38, %mul3A_39 : i32
      %dma_wait3A_41 = tpu.memref_slice %arg3[%mul3A_40] : memref<1638400xi32, #tpu.memory_space<hbm>> -> memref<1600xi32, #tpu.memory_space<hbm>>
      %dma_wait3A_42 = tpu.memref_slice %arg3[%mul3A_40] : memref<1638400xi32, #tpu.memory_space<hbm>> -> memref<1600xi32, #tpu.memory_space<hbm>>
      tpu.wait_dma2 semaphore(%arg11 : memref<!tpu.dma_semaphore, #tpu.memory_space<semaphore_mem>>) src(%dma_wait3A_42 : memref<1600xi32, #tpu.memory_space<hbm>>) dst(%arg6 : memref<1600xi32, #tpu.memory_space<vmem>>)
      %gt3A = arith.constant 0 : i32
      %gt3A_43 = arith.cmpi sgt, %scan3A_31, %gt3A : i32
      %convert_element_type3A = arith.extui %gt3A_43 : i1 to i32
      %cond3A = arith.constant 0 : i32
      %cond3A_44 = arith.cmpi ne, %convert_element_type3A, %cond3A : i32
      scf.if %cond3A_44 {
        %dma_wait3A_93 = arith.constant 0 : i32
        %dma_wait3A_94 = tpu.memref_slice %arg4[%add3A_38, %dma_wait3A_93] : memref<16384x2000xf32, #tpu.memory_space<hbm>> -> memref<16x2000xf32, #tpu.memory_space<hbm>>
        %dma_wait3A_95 = arith.constant 0 : i32
        %dma_wait3A_96 = tpu.memref_slice %arg4[%add3A_38, %dma_wait3A_95] : memref<16384x2000xf32, #tpu.memory_space<hbm>> -> memref<16x2000xf32, #tpu.memory_space<hbm>>
        tpu.wait_dma2 semaphore(%arg13 : memref<!tpu.dma_semaphore, #tpu.memory_space<semaphore_mem>>) src(%arg9 : memref<16x2000xf32, #tpu.memory_space<vmem>>) dst(%dma_wait3A_96 : memref<16x2000xf32, #tpu.memory_space<hbm>>)
      } else {
      }
      %parallel_loop3A = arith.constant 0 : i32
      %parallel_loop3A_45 = arith.constant 100 : i32
      %parallel_loop3A_46 = arith.constant 1 : i32
      scf.for %parallel_loop3A_93 = %parallel_loop3A to %parallel_loop3A_45 step %parallel_loop3A_46  : i32 {
        %parallel_loop3A_94 = arith.constant 16 : i32
        %parallel_loop3A_95 = arith.muli %parallel_loop3A_93, %parallel_loop3A_94 : i32
        %parallel_loop3A_96 = arith.index_cast %parallel_loop3A_95 : i32 to index
        %parallel_loop3A_97 = tpu.vector_load %arg6[%parallel_loop3A_96] {strides = array<i32>} : memref<1600xi32, #tpu.memory_space<vmem>>, vector<16xi32>,
        %parallel_loop3A_98 = arith.constant 0 : i32
        %parallel_loop3A_99 = vector.broadcast %parallel_loop3A_98 : i32 to vector<16xi32>
        %parallel_loop3A_100 = arith.maxsi %parallel_loop3A_97, %parallel_loop3A_99 : vector<16xi32>
        %parallel_loop3A_101 = arith.constant 255 : i32
        %parallel_loop3A_102 = vector.broadcast %parallel_loop3A_101 : i32 to vector<16xi32>
        %parallel_loop3A_103 = arith.minsi %parallel_loop3A_100, %parallel_loop3A_102 : vector<16xi32>
        %parallel_loop3A_104 = arith.constant 21 : i32
        %parallel_loop3A_105 = vector.broadcast %parallel_loop3A_104 : i32 to vector<16xi32>
        %parallel_loop3A_106 = arith.muli %parallel_loop3A_103, %parallel_loop3A_105 : vector<16xi32>
        %parallel_loop3A_107 = arith.constant 320 : i32
        %parallel_loop3A_108 = arith.muli %parallel_loop3A_93, %parallel_loop3A_107 : i32
        %parallel_loop3A_109 = vector.broadcast %parallel_loop3A_108 : i32 to vector<16xi32>
        %parallel_loop3A_110 = arith.addi %mul3A_3, %parallel_loop3A_109 : vector<16xi32>
        %parallel_loop3A_111 = arith.constant 0 : i32
        %parallel_loop3A_112 = vector.broadcast %parallel_loop3A_111 : i32 to vector<16xi32>
        %parallel_loop3A_113 = arith.addi %parallel_loop3A_106, %parallel_loop3A_112 : vector<16xi32>
        %parallel_loop3A_114 = tpu.vector_load_idx %arg5[%parallel_loop3A_113] : memref<5376xf32, #tpu.memory_space<vmem>>[vector<16xi32>], vector<16xf32>,
        %parallel_loop3A_115 = arith.constant 1 : i32
        %parallel_loop3A_116 = vector.broadcast %parallel_loop3A_115 : i32 to vector<16xi32>
        %parallel_loop3A_117 = arith.addi %parallel_loop3A_106, %parallel_loop3A_116 : vector<16xi32>
        %parallel_loop3A_118 = tpu.vector_load_idx %arg5[%parallel_loop3A_117] : memref<5376xf32, #tpu.memory_space<vmem>>[vector<16xi32>], vector<16xf32>,
        %parallel_loop3A_119 = arith.constant 0 : i32
        %parallel_loop3A_120 = vector.broadcast %parallel_loop3A_119 : i32 to vector<16xi32>
        %parallel_loop3A_121 = arith.addi %parallel_loop3A_110, %parallel_loop3A_120 : vector<16xi32>
        tpu.vector_store_idx %arg8[%parallel_loop3A_121], %parallel_loop3A_114 : memref<32000xf32, #tpu.memory_space<vmem>>[vector<16xi32>], vector<16xf32>,
        %parallel_loop3A_122 = arith.constant 1 : i32
        %parallel_loop3A_123 = vector.broadcast %parallel_loop3A_122 : i32 to vector<16xi32>
        %parallel_loop3A_124 = arith.addi %parallel_loop3A_110, %parallel_loop3A_123 : vector<16xi32>
        tpu.vector_store_idx %arg8[%parallel_loop3A_124], %parallel_loop3A_118 : memref<32000xf32, #tpu.memory_space<vmem>>[vector<16xi32>], vector<16xf32>,
      } {sc.loop_unroll_factor = 1 : i64, sc.parallel_access}
      %parallel_loop3A_47 = arith.constant 0 : i32
      %parallel_loop3A_48 = arith.constant 16 : i32
      %parallel_loop3A_49 = arith.constant 1 : i32
      scf.for %parallel_loop3A_93 = %parallel_loop3A_47 to %parallel_loop3A_48 step %parallel_loop3A_49  : i32 {
        %parallel_loop3A_94 = arith.constant 2000 : i32
        %parallel_loop3A_95 = arith.muli %parallel_loop3A_93, %parallel_loop3A_94 : i32
        %parallel_loop3A_96 = arith.constant 0 : i32
        %parallel_loop3A_97 = arith.addi %parallel_loop3A_95, %parallel_loop3A_96 : i32
        %parallel_loop3A_98 = arith.index_cast %parallel_loop3A_97 : i32 to index
        %parallel_loop3A_99 = tpu.vector_load %arg8[%parallel_loop3A_98] {strides = array<i32>} : memref<32000xf32, #tpu.memory_space<vmem>>, vector<16xf32>,
        %parallel_loop3A_100 = arith.index_cast %parallel_loop3A_93 : i32 to index
        %parallel_loop3A_101 = arith.constant 0 : index
        %parallel_loop3A_102 = tpu.vector_load %arg9[%parallel_loop3A_100, %parallel_loop3A_101] {strides = array<i32>} : memref<16x2000xf32, #tpu.memory_space<vmem>>, vector<16xf32>,
        tpu.vector_store %arg9[%parallel_loop3A_100, %parallel_loop3A_101], %parallel_loop3A_99 {strides = array<i32>} : memref<16x2000xf32, #tpu.memory_space<vmem>>, vector<16xf32>,
        %parallel_loop3A_103 = arith.constant 2000 : i32
        %parallel_loop3A_104 = arith.muli %parallel_loop3A_93, %parallel_loop3A_103 : i32
        %parallel_loop3A_105 = arith.constant 16 : i32
        %parallel_loop3A_106 = arith.addi %parallel_loop3A_104, %parallel_loop3A_105 : i32
        %parallel_loop3A_107 = arith.index_cast %parallel_loop3A_106 : i32 to index
        %parallel_loop3A_108 = tpu.vector_load %arg8[%parallel_loop3A_107] {strides = array<i32>} : memref<32000xf32, #tpu.memory_space<vmem>>, vector<16xf32>,
        %parallel_loop3A_109 = arith.index_cast %parallel_loop3A_93 : i32 to index
        %parallel_loop3A_110 = arith.constant 16 : index
        %parallel_loop3A_111 = tpu.vector_load %arg9[%parallel_loop3A_109, %parallel_loop3A_110] {strides = array<i32>} : memref<16x2000xf32, #tpu.memory_space<vmem>>, vector<16xf32>,
        tpu.vector_store %arg9[%parallel_loop3A_109, %parallel_loop3A_110], %parallel_loop3A_108 {strides = array<i32>} : memref<16x2000xf32, #tpu.memory_space<vmem>>, vector<16xf32>,
        %parallel_loop3A_112 = arith.constant 2000 : i32
        %parallel_loop3A_113 = arith.muli %parallel_loop3A_93, %parallel_loop3A_112 : i32
        %parallel_loop3A_114 = arith.constant 32 : i32
        %parallel_loop3A_115 = arith.addi %parallel_loop3A_113, %parallel_loop3A_114 : i32
        %parallel_loop3A_116 = arith.index_cast %parallel_loop3A_115 : i32 to index
        %parallel_loop3A_117 = tpu.vector_load %arg8[%parallel_loop3A_116] {strides = array<i32>} : memref<32000xf32, #tpu.memory_space<vmem>>, vector<16xf32>,
        %parallel_loop3A_118 = arith.index_cast %parallel_loop3A_93 : i32 to index
        %parallel_loop3A_119 = arith.constant 32 : index
        %parallel_loop3A_120 = tpu.vector_load %arg9[%parallel_loop3A_118, %parallel_loop3A_119] {strides = array<i32>} : memref<16x2000xf32, #tpu.memory_space<vmem>>, vector<16xf32>,
        tpu.vector_store %arg9[%parallel_loop3A_118, %parallel_loop3A_119], %parallel_loop3A_117 {strides = array<i32>} : memref<16x2000xf32, #tpu.memory_space<vmem>>, vector<16xf32>,
        %parallel_loop3A_121 = arith.constant 2000 : i32
        %parallel_loop3A_122 = arith.muli %parallel_loop3A_93, %parallel_loop3A_121 : i32
        %parallel_loop3A_123 = arith.constant 48 : i32
        %parallel_loop3A_124 = arith.addi %parallel_loop3A_122, %parallel_loop3A_123 : i32
        %parallel_loop3A_125 = arith.index_cast %parallel_loop3A_124 : i32 to index
        %parallel_loop3A_126 = tpu.vector_load %arg8[%parallel_loop3A_125] {strides = array<i32>} : memref<32000xf32, #tpu.memory_space<vmem>>, vector<16xf32>,
        %parallel_loop3A_127 = arith.index_cast %parallel_loop3A_93 : i32 to index
        %parallel_loop3A_128 = arith.constant 48 : index
        %parallel_loop3A_129 = tpu.vector_load %arg9[%parallel_loop3A_127, %parallel_loop3A_128] {strides = array<i32>} : memref<16x2000xf32, #tpu.memory_space<vmem>>, vector<16xf32>,
        tpu.vector_store %arg9[%parallel_loop3A_127, %parallel_loop3A_128], %parallel_loop3A_126 {strides = array<i32>} : memref<16x2000xf32, #tpu.memory_space<vmem>>, vector<16xf32>,
        %parallel_loop3A_130 = arith.constant 2000 : i32
        %parallel_loop3A_131 = arith.muli %parallel_loop3A_93, %parallel_loop3A_130 : i32
        %parallel_loop3A_132 = arith.constant 64 : i32
        %parallel_loop3A_133 = arith.addi %parallel_loop3A_131, %parallel_loop3A_132 : i32
        %parallel_loop3A_134 = arith.index_cast %parallel_loop3A_133 : i32 to index
        %parallel_loop3A_135 = tpu.vector_load %arg8[%parallel_loop3A_134] {strides = array<i32>} : memref<32000xf32, #tpu.memory_space<vmem>>, vector<16xf32>,
        %parallel_loop3A_136 = arith.index_cast %parallel_loop3A_93 : i32 to index
        %parallel_loop3A_137 = arith.constant 64 : index
        %parallel_loop3A_138 = tpu.vector_load %arg9[%parallel_loop3A_136, %parallel_loop3A_137] {strides = array<i32>} : memref<16x2000xf32, #tpu.memory_space<vmem>>, vector<16xf32>,
        tpu.vector_store %arg9[%parallel_loop3A_136, %parallel_loop3A_137], %parallel_loop3A_135 {strides = array<i32>} : memref<16x2000xf32, #tpu.memory_space<vmem>>, vector<16xf32>,
        %parallel_loop3A_139 = arith.constant 2000 : i32
        %parallel_loop3A_140 = arith.muli %parallel_loop3A_93, %parallel_loop3A_139 : i32
        %parallel_loop3A_141 = arith.constant 80 : i32
        %parallel_loop3A_142 = arith.addi %parallel_loop3A_140, %parallel_loop3A_141 : i32
        %parallel_loop3A_143 = arith.index_cast %parallel_loop3A_142 : i32 to index
        %parallel_loop3A_144 = tpu.vector_load %arg8[%parallel_loop3A_143] {strides = array<i32>} : memref<32000xf32, #tpu.memory_space<vmem>>, vector<16xf32>,
        %parallel_loop3A_145 = arith.index_cast %parallel_loop3A_93 : i32 to index
        %parallel_loop3A_146 = arith.constant 80 : index
        %parallel_loop3A_147 = tpu.vector_load %arg9[%parallel_loop3A_145, %parallel_loop3A_146] {strides = array<i32>} : memref<16x2000xf32, #tpu.memory_space<vmem>>, vector<16xf32>,
        tpu.vector_store %arg9[%parallel_loop3A_145, %parallel_loop3A_146], %parallel_loop3A_144 {strides = array<i32>} : memref<16x2000xf32, #tpu.memory_space<vmem>>, vector<16xf32>,
        %parallel_loop3A_148 = arith.constant 2000 : i32
        %parallel_loop3A_149 = arith.muli %parallel_loop3A_93, %parallel_loop3A_148 : i32
        %parallel_loop3A_150 = arith.constant 96 : i32
        %parallel_loop3A_151 = arith.addi %parallel_loop3A_149, %parallel_loop3A_150 : i32
        %parallel_loop3A_152 = arith.index_cast %parallel_loop3A_151 : i32 to index
        %parallel_loop3A_153 = tpu.vector_load %arg8[%parallel_loop3A_152] {strides = array<i32>} : memref<32000xf32, #tpu.memory_space<vmem>>, vector<16xf32>,
        %parallel_loop3A_154 = arith.index_cast %parallel_loop3A_93 : i32 to index
        %parallel_loop3A_155 = arith.constant 96 : index
        %parallel_loop3A_156 = tpu.vector_load %arg9[%parallel_loop3A_154, %parallel_loop3A_155] {strides = array<i32>} : memref<16x2000xf32, #tpu.memory_space<vmem>>, vector<16xf32>,
        tpu.vector_store %arg9[%parallel_loop3A_154, %parallel_loop3A_155], %parallel_loop3A_153 {strides = array<i32>} : memref<16x2000xf32, #tpu.memory_space<vmem>>, vector<16xf32>,
        %parallel_loop3A_157 = arith.constant 2000 : i32
        %parallel_loop3A_158 = arith.muli %parallel_loop3A_93, %parallel_loop3A_157 : i32
        %parallel_loop3A_159 = arith.constant 112 : i32
        %parallel_loop3A_160 = arith.addi %parallel_loop3A_158, %parallel_loop3A_159 : i32
        %parallel_loop3A_161 = arith.index_cast %parallel_loop3A_160 : i32 to index
        %parallel_loop3A_162 = tpu.vector_load %arg8[%parallel_loop3A_161] {strides = array<i32>} : memref<32000xf32, #tpu.memory_space<vmem>>, vector<16xf32>,
        %parallel_loop3A_163 = arith.index_cast %parallel_loop3A_93 : i32 to index
        %parallel_loop3A_164 = arith.constant 112 : index
        %parallel_loop3A_165 = tpu.vector_load %arg9[%parallel_loop3A_163, %parallel_loop3A_164] {strides = array<i32>} : memref<16x2000xf32, #tpu.memory_space<vmem>>, vector<16xf32>,
        tpu.vector_store %arg9[%parallel_loop3A_163, %parallel_loop3A_164], %parallel_loop3A_162 {strides = array<i32>} : memref<16x2000xf32, #tpu.memory_space<vmem>>, vector<16xf32>,
        %parallel_loop3A_166 = arith.constant 2000 : i32
        %parallel_loop3A_167 = arith.muli %parallel_loop3A_93, %parallel_loop3A_166 : i32
        %parallel_loop3A_168 = arith.constant 128 : i32
        %parallel_loop3A_169 = arith.addi %parallel_loop3A_167, %parallel_loop3A_168 : i32
        %parallel_loop3A_170 = arith.index_cast %parallel_loop3A_169 : i32 to index
        %parallel_loop3A_171 = tpu.vector_load %arg8[%parallel_loop3A_170] {strides = array<i32>} : memref<32000xf32, #tpu.memory_space<vmem>>, vector<16xf32>,
        %parallel_loop3A_172 = arith.index_cast %parallel_loop3A_93 : i32 to index
        %parallel_loop3A_173 = arith.constant 128 : index
        %parallel_loop3A_174 = tpu.vector_load %arg9[%parallel_loop3A_172, %parallel_loop3A_173] {strides = array<i32>} : memref<16x2000xf32, #tpu.memory_space<vmem>>, vector<16xf32>,
        tpu.vector_store %arg9[%parallel_loop3A_172, %parallel_loop3A_173], %parallel_loop3A_171 {strides = array<i32>} : memref<16x2000xf32, #tpu.memory_space<vmem>>, vector<16xf32>,
        %parallel_loop3A_175 = arith.constant 2000 : i32
        %parallel_loop3A_176 = arith.muli %parallel_loop3A_93, %parallel_loop3A_175 : i32
        %parallel_loop3A_177 = arith.constant 144 : i32
        %parallel_loop3A_178 = arith.addi %parallel_loop3A_176, %parallel_loop3A_177 : i32
        %parallel_loop3A_179 = arith.index_cast %parallel_loop3A_178 : i32 to index
        %parallel_loop3A_180 = tpu.vector_load %arg8[%parallel_loop3A_179] {strides = array<i32>} : memref<32000xf32, #tpu.memory_space<vmem>>, vector<16xf32>,
        %parallel_loop3A_181 = arith.index_cast %parallel_loop3A_93 : i32 to index
        %parallel_loop3A_182 = arith.constant 144 : index
        %parallel_loop3A_183 = tpu.vector_load %arg9[%parallel_loop3A_181, %parallel_loop3A_182] {strides = array<i32>} : memref<16x2000xf32, #tpu.memory_space<vmem>>, vector<16xf32>,
        tpu.vector_store %arg9[%parallel_loop3A_181, %parallel_loop3A_182], %parallel_loop3A_180 {strides = array<i32>} : memref<16x2000xf32, #tpu.memory_space<vmem>>, vector<16xf32>,
        %parallel_loop3A_184 = arith.constant 2000 : i32
        %parallel_loop3A_185 = arith.muli %parallel_loop3A_93, %parallel_loop3A_184 : i32
        %parallel_loop3A_186 = arith.constant 160 : i32
        %parallel_loop3A_187 = arith.addi %parallel_loop3A_185, %parallel_loop3A_186 : i32
        %parallel_loop3A_188 = arith.index_cast %parallel_loop3A_187 : i32 to index
        %parallel_loop3A_189 = tpu.vector_load %arg8[%parallel_loop3A_188] {strides = array<i32>} : memref<32000xf32, #tpu.memory_space<vmem>>, vector<16xf32>,
        %parallel_loop3A_190 = arith.index_cast %parallel_loop3A_93 : i32 to index
        %parallel_loop3A_191 = arith.constant 160 : index
        %parallel_loop3A_192 = tpu.vector_load %arg9[%parallel_loop3A_190, %parallel_loop3A_191] {strides = array<i32>} : memref<16x2000xf32, #tpu.memory_space<vmem>>, vector<16xf32>,
        tpu.vector_store %arg9[%parallel_loop3A_190, %parallel_loop3A_191], %parallel_loop3A_189 {strides = array<i32>} : memref<16x2000xf32, #tpu.memory_space<vmem>>, vector<16xf32>,
        %parallel_loop3A_193 = arith.constant 2000 : i32
        %parallel_loop3A_194 = arith.muli %parallel_loop3A_93, %parallel_loop3A_193 : i32
        %parallel_loop3A_195 = arith.constant 176 : i32
        %parallel_loop3A_196 = arith.addi %parallel_loop3A_194, %parallel_loop3A_195 : i32
        %parallel_loop3A_197 = arith.index_cast %parallel_loop3A_196 : i32 to index
        %parallel_loop3A_198 = tpu.vector_load %arg8[%parallel_loop3A_197] {strides = array<i32>} : memref<32000xf32, #tpu.memory_space<vmem>>, vector<16xf32>,
        %parallel_loop3A_199 = arith.index_cast %parallel_loop3A_93 : i32 to index
        %parallel_loop3A_200 = arith.constant 176 : index
        %parallel_loop3A_201 = tpu.vector_load %arg9[%parallel_loop3A_199, %parallel_loop3A_200] {strides = array<i32>} : memref<16x2000xf32, #tpu.memory_space<vmem>>, vector<16xf32>,
        tpu.vector_store %arg9[%parallel_loop3A_199, %parallel_loop3A_200], %parallel_loop3A_198 {strides = array<i32>} : memref<16x2000xf32, #tpu.memory_space<vmem>>, vector<16xf32>,
        %parallel_loop3A_202 = arith.constant 2000 : i32
        %parallel_loop3A_203 = arith.muli %parallel_loop3A_93, %parallel_loop3A_202 : i32
        %parallel_loop3A_204 = arith.constant 192 : i32
        %parallel_loop3A_205 = arith.addi %parallel_loop3A_203, %parallel_loop3A_204 : i32
        %parallel_loop3A_206 = arith.index_cast %parallel_loop3A_205 : i32 to index
        %parallel_loop3A_207 = tpu.vector_load %arg8[%parallel_loop3A_206] {strides = array<i32>} : memref<32000xf32, #tpu.memory_space<vmem>>, vector<16xf32>,
        %parallel_loop3A_208 = arith.index_cast %parallel_loop3A_93 : i32 to index
        %parallel_loop3A_209 = arith.constant 192 : index
        %parallel_loop3A_210 = tpu.vector_load %arg9[%parallel_loop3A_208, %parallel_loop3A_209] {strides = array<i32>} : memref<16x2000xf32, #tpu.memory_space<vmem>>, vector<16xf32>,
        tpu.vector_store %arg9[%parallel_loop3A_208, %parallel_loop3A_209], %parallel_loop3A_207 {strides = array<i32>} : memref<16x2000xf32, #tpu.memory_space<vmem>>, vector<16xf32>,
        %parallel_loop3A_211 = arith.constant 2000 : i32
        %parallel_loop3A_212 = arith.muli %parallel_loop3A_93, %parallel_loop3A_211 : i32
        %parallel_loop3A_213 = arith.constant 208 : i32
        %parallel_loop3A_214 = arith.addi %parallel_loop3A_212, %parallel_loop3A_213 : i32
        %parallel_loop3A_215 = arith.index_cast %parallel_loop3A_214 : i32 to index
        %parallel_loop3A_216 = tpu.vector_load %arg8[%parallel_loop3A_215] {strides = array<i32>} : memref<32000xf32, #tpu.memory_space<vmem>>, vector<16xf32>,
        %parallel_loop3A_217 = arith.index_cast %parallel_loop3A_93 : i32 to index
        %parallel_loop3A_218 = arith.constant 208 : index
        %parallel_loop3A_219 = tpu.vector_load %arg9[%parallel_loop3A_217, %parallel_loop3A_218] {strides = array<i32>} : memref<16x2000xf32, #tpu.memory_space<vmem>>, vector<16xf32>,
        tpu.vector_store %arg9[%parallel_loop3A_217, %parallel_loop3A_218], %parallel_loop3A_216 {strides = array<i32>} : memref<16x2000xf32, #tpu.memory_space<vmem>>, vector<16xf32>,
        %parallel_loop3A_220 = arith.constant 2000 : i32
        %parallel_loop3A_221 = arith.muli %parallel_loop3A_93, %parallel_loop3A_220 : i32
        %parallel_loop3A_222 = arith.constant 224 : i32
        %parallel_loop3A_223 = arith.addi %parallel_loop3A_221, %parallel_loop3A_222 : i32
        %parallel_loop3A_224 = arith.index_cast %parallel_loop3A_223 : i32 to index
        %parallel_loop3A_225 = tpu.vector_load %arg8[%parallel_loop3A_224] {strides = array<i32>} : memref<32000xf32, #tpu.memory_space<vmem>>, vector<16xf32>,
        %parallel_loop3A_226 = arith.index_cast %parallel_loop3A_93 : i32 to index
        %parallel_loop3A_227 = arith.constant 224 : index
        %parallel_loop3A_228 = tpu.vector_load %arg9[%parallel_loop3A_226, %parallel_loop3A_227] {strides = array<i32>} : memref<16x2000xf32, #tpu.memory_space<vmem>>, vector<16xf32>,
        tpu.vector_store %arg9[%parallel_loop3A_226, %parallel_loop3A_227], %parallel_loop3A_225 {strides = array<i32>} : memref<16x2000xf32, #tpu.memory_space<vmem>>, vector<16xf32>,
        %parallel_loop3A_229 = arith.constant 2000 : i32
        %parallel_loop3A_230 = arith.muli %parallel_loop3A_93, %parallel_loop3A_229 : i32
        %parallel_loop3A_231 = arith.constant 240 : i32
        %parallel_loop3A_232 = arith.addi %parallel_loop3A_230, %parallel_loop3A_231 : i32
        %parallel_loop3A_233 = arith.index_cast %parallel_loop3A_232 : i32 to index
        %parallel_loop3A_234 = tpu.vector_load %arg8[%parallel_loop3A_233] {strides = array<i32>} : memref<32000xf32, #tpu.memory_space<vmem>>, vector<16xf32>,
        %parallel_loop3A_235 = arith.index_cast %parallel_loop3A_93 : i32 to index
        %parallel_loop3A_236 = arith.constant 240 : index
        %parallel_loop3A_237 = tpu.vector_load %arg9[%parallel_loop3A_235, %parallel_loop3A_236] {strides = array<i32>} : memref<16x2000xf32, #tpu.memory_space<vmem>>, vector<16xf32>,
        tpu.vector_store %arg9[%parallel_loop3A_235, %parallel_loop3A_236], %parallel_loop3A_234 {strides = array<i32>} : memref<16x2000xf32, #tpu.memory_space<vmem>>, vector<16xf32>,
      } {sc.loop_unroll_factor = 1 : i64, sc.parallel_access}
      %dma_start3A_50 = arith.constant 0 : i32
      %dma_start3A_51 = tpu.memref_slice %arg4[%add3A_38, %dma_start3A_50] : memref<16384x2000xf32, #tpu.memory_space<hbm>> -> memref<16x2000xf32, #tpu.memory_space<hbm>>
      %dma_start3A_52 = arith.constant 0 : i32
      %dma_start3A_53 = tpu.memref_slice %arg4[%add3A_38, %dma_start3A_52] : memref<16384x2000xf32, #tpu.memory_space<hbm>> -> memref<16x2000xf32, #tpu.memory_space<hbm>>
      tpu.enqueue_dma source(%arg9 : memref<16x2000xf32, #tpu.memory_space<vmem>>) target(%dma_start3A_53 : memref<16x2000xf32, #tpu.memory_space<hbm>>) target_semaphore(%arg13 : memref<!tpu.dma_semaphore, #tpu.memory_space<semaphore_mem>>)
      %add3A_54 = arith.constant 2 : i32
      %add3A_55 = arith.addi %add3A_35, %add3A_54 : i32
      %lt3A = arith.constant 32 : i32
      %lt3A_56 = arith.cmpi slt, %add3A_55, %lt3A : i32
      %convert_element_type3A_57 = arith.extui %lt3A_56 : i1 to i32
      %cond3A_58 = arith.constant 0 : i32
      %cond3A_59 = arith.cmpi ne, %convert_element_type3A_57, %cond3A_58 : i32
      scf.if %cond3A_59 {
        %add3A_93 = arith.constant 32 : i32
        %add3A_94 = arith.addi %add3A_38, %add3A_93 : i32
        %mul3A_95 = arith.constant 100 : i32
        %mul3A_96 = arith.muli %add3A_94, %mul3A_95 : i32
        %dma_start3A_97 = tpu.memref_slice %arg3[%mul3A_96] : memref<1638400xi32, #tpu.memory_space<hbm>> -> memref<1600xi32, #tpu.memory_space<hbm>>
        %dma_start3A_98 = tpu.memref_slice %arg3[%mul3A_96] : memref<1638400xi32, #tpu.memory_space<hbm>> -> memref<1600xi32, #tpu.memory_space<hbm>>
        tpu.enqueue_dma source(%dma_start3A_98 : memref<1600xi32, #tpu.memory_space<hbm>>) target(%arg6 : memref<1600xi32, #tpu.memory_space<vmem>>) target_semaphore(%arg11 : memref<!tpu.dma_semaphore, #tpu.memory_space<semaphore_mem>>)
      } else {
      }
      %mul3A_60 = arith.constant 2 : i32
      %mul3A_61 = arith.muli %scan3A_31, %mul3A_60 : i32
      %add3A_62 = arith.constant 1 : i32
      %add3A_63 = arith.addi %mul3A_61, %add3A_62 : i32
      %mul3A_64 = arith.constant 16 : i32
      %mul3A_65 = arith.muli %add3A_63, %mul3A_64 : i32
      %add3A_66 = arith.addi %mul3A_5, %mul3A_65 : i32
      %mul3A_67 = arith.constant 100 : i32
      %mul3A_68 = arith.muli %add3A_66, %mul3A_67 : i32
      %dma_wait3A_69 = tpu.memref_slice %arg3[%mul3A_68] : memref<1638400xi32, #tpu.memory_space<hbm>> -> memref<1600xi32, #tpu.memory_space<hbm>>
      %dma_wait3A_70 = tpu.memref_slice %arg3[%mul3A_68] : memref<1638400xi32, #tpu.memory_space<hbm>> -> memref<1600xi32, #tpu.memory_space<hbm>>
      tpu.wait_dma2 semaphore(%arg12 : memref<!tpu.dma_semaphore, #tpu.memory_space<semaphore_mem>>) src(%dma_wait3A_70 : memref<1600xi32, #tpu.memory_space<hbm>>) dst(%arg7 : memref<1600xi32, #tpu.memory_space<vmem>>)
      %gt3A_71 = arith.constant 0 : i32
      %gt3A_72 = arith.cmpi sgt, %scan3A_31, %gt3A_71 : i32
      %convert_element_type3A_73 = arith.extui %gt3A_72 : i1 to i32
      %cond3A_74 = arith.constant 0 : i32
      %cond3A_75 = arith.cmpi ne, %convert_element_type3A_73, %cond3A_74 : i32
      scf.if %cond3A_75 {
        %dma_wait3A_93 = arith.constant 0 : i32
        %dma_wait3A_94 = tpu.memref_slice %arg4[%add3A_66, %dma_wait3A_93] : memref<16384x2000xf32, #tpu.memory_space<hbm>> -> memref<16x2000xf32, #tpu.memory_space<hbm>>
        %dma_wait3A_95 = arith.constant 0 : i32
        %dma_wait3A_96 = tpu.memref_slice %arg4[%add3A_66, %dma_wait3A_95] : memref<16384x2000xf32, #tpu.memory_space<hbm>> -> memref<16x2000xf32, #tpu.memory_space<hbm>>
        tpu.wait_dma2 semaphore(%arg14 : memref<!tpu.dma_semaphore, #tpu.memory_space<semaphore_mem>>) src(%arg10 : memref<16x2000xf32, #tpu.memory_space<vmem>>) dst(%dma_wait3A_96 : memref<16x2000xf32, #tpu.memory_space<hbm>>)
      } else {
      }
      %parallel_loop3A_76 = arith.constant 0 : i32
      %parallel_loop3A_77 = arith.constant 100 : i32
      %parallel_loop3A_78 = arith.constant 1 : i32
      scf.for %parallel_loop3A_93 = %parallel_loop3A_76 to %parallel_loop3A_77 step %parallel_loop3A_78  : i32 {
        %parallel_loop3A_94 = arith.constant 16 : i32
        %parallel_loop3A_95 = arith.muli %parallel_loop3A_93, %parallel_loop3A_94 : i32
        %parallel_loop3A_96 = arith.index_cast %parallel_loop3A_95 : i32 to index
        %parallel_loop3A_97 = tpu.vector_load %arg7[%parallel_loop3A_96] {strides = array<i32>} : memref<1600xi32, #tpu.memory_space<vmem>>, vector<16xi32>,
        %parallel_loop3A_98 = arith.constant 0 : i32
        %parallel_loop3A_99 = vector.broadcast %parallel_loop3A_98 : i32 to vector<16xi32>
        %parallel_loop3A_100 = arith.maxsi %parallel_loop3A_97, %parallel_loop3A_99 : vector<16xi32>
        %parallel_loop3A_101 = arith.constant 255 : i32
        %parallel_loop3A_102 = vector.broadcast %parallel_loop3A_101 : i32 to vector<16xi32>
        %parallel_loop3A_103 = arith.minsi %parallel_loop3A_100, %parallel_loop3A_102 : vector<16xi32>
        %parallel_loop3A_104 = arith.constant 21 : i32
        %parallel_loop3A_105 = vector.broadcast %parallel_loop3A_104 : i32 to vector<16xi32>
        %parallel_loop3A_106 = arith.muli %parallel_loop3A_103, %parallel_loop3A_105 : vector<16xi32>
        %parallel_loop3A_107 = arith.constant 320 : i32
        %parallel_loop3A_108 = arith.muli %parallel_loop3A_93, %parallel_loop3A_107 : i32
        %parallel_loop3A_109 = vector.broadcast %parallel_loop3A_108 : i32 to vector<16xi32>
        %parallel_loop3A_110 = arith.addi %mul3A_3, %parallel_loop3A_109 : vector<16xi32>
        %parallel_loop3A_111 = arith.constant 0 : i32
        %parallel_loop3A_112 = vector.broadcast %parallel_loop3A_111 : i32 to vector<16xi32>
        %parallel_loop3A_113 = arith.addi %parallel_loop3A_106, %parallel_loop3A_112 : vector<16xi32>
        %parallel_loop3A_114 = tpu.vector_load_idx %arg5[%parallel_loop3A_113] : memref<5376xf32, #tpu.memory_space<vmem>>[vector<16xi32>], vector<16xf32>,
        %parallel_loop3A_115 = arith.constant 1 : i32
        %parallel_loop3A_116 = vector.broadcast %parallel_loop3A_115 : i32 to vector<16xi32>
        %parallel_loop3A_117 = arith.addi %parallel_loop3A_106, %parallel_loop3A_116 : vector<16xi32>
        %parallel_loop3A_118 = tpu.vector_load_idx %arg5[%parallel_loop3A_117] : memref<5376xf32, #tpu.memory_space<vmem>>[vector<16xi32>], vector<16xf32>,
        %parallel_loop3A_119 = arith.constant 0 : i32
        %parallel_loop3A_120 = vector.broadcast %parallel_loop3A_119 : i32 to vector<16xi32>
        %parallel_loop3A_121 = arith.addi %parallel_loop3A_110, %parallel_loop3A_120 : vector<16xi32>
        tpu.vector_store_idx %arg8[%parallel_loop3A_121], %parallel_loop3A_114 : memref<32000xf32, #tpu.memory_space<vmem>>[vector<16xi32>], vector<16xf32>,
        %parallel_loop3A_122 = arith.constant 1 : i32
        %parallel_loop3A_123 = vector.broadcast %parallel_loop3A_122 : i32 to vector<16xi32>
        %parallel_loop3A_124 = arith.addi %parallel_loop3A_110, %parallel_loop3A_123 : vector<16xi32>
        tpu.vector_store_idx %arg8[%parallel_loop3A_124], %parallel_loop3A_118 : memref<32000xf32, #tpu.memory_space<vmem>>[vector<16xi32>], vector<16xf32>,
      } {sc.loop_unroll_factor = 1 : i64, sc.parallel_access}
      %parallel_loop3A_79 = arith.constant 0 : i32
      %parallel_loop3A_80 = arith.constant 16 : i32
      %parallel_loop3A_81 = arith.constant 1 : i32
      scf.for %parallel_loop3A_93 = %parallel_loop3A_79 to %parallel_loop3A_80 step %parallel_loop3A_81  : i32 {
        %parallel_loop3A_94 = arith.constant 2000 : i32
        %parallel_loop3A_95 = arith.muli %parallel_loop3A_93, %parallel_loop3A_94 : i32
        %parallel_loop3A_96 = arith.constant 0 : i32
        %parallel_loop3A_97 = arith.addi %parallel_loop3A_95, %parallel_loop3A_96 : i32
        %parallel_loop3A_98 = arith.index_cast %parallel_loop3A_97 : i32 to index
        %parallel_loop3A_99 = tpu.vector_load %arg8[%parallel_loop3A_98] {strides = array<i32>} : memref<32000xf32, #tpu.memory_space<vmem>>, vector<16xf32>,
        %parallel_loop3A_100 = arith.index_cast %parallel_loop3A_93 : i32 to index
        %parallel_loop3A_101 = arith.constant 0 : index
        %parallel_loop3A_102 = tpu.vector_load %arg10[%parallel_loop3A_100, %parallel_loop3A_101] {strides = array<i32>} : memref<16x2000xf32, #tpu.memory_space<vmem>>, vector<16xf32>,
        tpu.vector_store %arg10[%parallel_loop3A_100, %parallel_loop3A_101], %parallel_loop3A_99 {strides = array<i32>} : memref<16x2000xf32, #tpu.memory_space<vmem>>, vector<16xf32>,
        %parallel_loop3A_103 = arith.constant 2000 : i32
        %parallel_loop3A_104 = arith.muli %parallel_loop3A_93, %parallel_loop3A_103 : i32
        %parallel_loop3A_105 = arith.constant 16 : i32
        %parallel_loop3A_106 = arith.addi %parallel_loop3A_104, %parallel_loop3A_105 : i32
        %parallel_loop3A_107 = arith.index_cast %parallel_loop3A_106 : i32 to index
        %parallel_loop3A_108 = tpu.vector_load %arg8[%parallel_loop3A_107] {strides = array<i32>} : memref<32000xf32, #tpu.memory_space<vmem>>, vector<16xf32>,
        %parallel_loop3A_109 = arith.index_cast %parallel_loop3A_93 : i32 to index
        %parallel_loop3A_110 = arith.constant 16 : index
        %parallel_loop3A_111 = tpu.vector_load %arg10[%parallel_loop3A_109, %parallel_loop3A_110] {strides = array<i32>} : memref<16x2000xf32, #tpu.memory_space<vmem>>, vector<16xf32>,
        tpu.vector_store %arg10[%parallel_loop3A_109, %parallel_loop3A_110], %parallel_loop3A_108 {strides = array<i32>} : memref<16x2000xf32, #tpu.memory_space<vmem>>, vector<16xf32>,
        %parallel_loop3A_112 = arith.constant 2000 : i32
        %parallel_loop3A_113 = arith.muli %parallel_loop3A_93, %parallel_loop3A_112 : i32
        %parallel_loop3A_114 = arith.constant 32 : i32
        %parallel_loop3A_115 = arith.addi %parallel_loop3A_113, %parallel_loop3A_114 : i32
        %parallel_loop3A_116 = arith.index_cast %parallel_loop3A_115 : i32 to index
        %parallel_loop3A_117 = tpu.vector_load %arg8[%parallel_loop3A_116] {strides = array<i32>} : memref<32000xf32, #tpu.memory_space<vmem>>, vector<16xf32>,
        %parallel_loop3A_118 = arith.index_cast %parallel_loop3A_93 : i32 to index
        %parallel_loop3A_119 = arith.constant 32 : index
        %parallel_loop3A_120 = tpu.vector_load %arg10[%parallel_loop3A_118, %parallel_loop3A_119] {strides = array<i32>} : memref<16x2000xf32, #tpu.memory_space<vmem>>, vector<16xf32>,
        tpu.vector_store %arg10[%parallel_loop3A_118, %parallel_loop3A_119], %parallel_loop3A_117 {strides = array<i32>} : memref<16x2000xf32, #tpu.memory_space<vmem>>, vector<16xf32>,
        %parallel_loop3A_121 = arith.constant 2000 : i32
        %parallel_loop3A_122 = arith.muli %parallel_loop3A_93, %parallel_loop3A_121 : i32
        %parallel_loop3A_123 = arith.constant 48 : i32
        %parallel_loop3A_124 = arith.addi %parallel_loop3A_122, %parallel_loop3A_123 : i32
        %parallel_loop3A_125 = arith.index_cast %parallel_loop3A_124 : i32 to index
        %parallel_loop3A_126 = tpu.vector_load %arg8[%parallel_loop3A_125] {strides = array<i32>} : memref<32000xf32, #tpu.memory_space<vmem>>, vector<16xf32>,
        %parallel_loop3A_127 = arith.index_cast %parallel_loop3A_93 : i32 to index
        %parallel_loop3A_128 = arith.constant 48 : index
        %parallel_loop3A_129 = tpu.vector_load %arg10[%parallel_loop3A_127, %parallel_loop3A_128] {strides = array<i32>} : memref<16x2000xf32, #tpu.memory_space<vmem>>, vector<16xf32>,
        tpu.vector_store %arg10[%parallel_loop3A_127, %parallel_loop3A_128], %parallel_loop3A_126 {strides = array<i32>} : memref<16x2000xf32, #tpu.memory_space<vmem>>, vector<16xf32>,
        %parallel_loop3A_130 = arith.constant 2000 : i32
        %parallel_loop3A_131 = arith.muli %parallel_loop3A_93, %parallel_loop3A_130 : i32
        %parallel_loop3A_132 = arith.constant 64 : i32
        %parallel_loop3A_133 = arith.addi %parallel_loop3A_131, %parallel_loop3A_132 : i32
        %parallel_loop3A_134 = arith.index_cast %parallel_loop3A_133 : i32 to index
        %parallel_loop3A_135 = tpu.vector_load %arg8[%parallel_loop3A_134] {strides = array<i32>} : memref<32000xf32, #tpu.memory_space<vmem>>, vector<16xf32>,
        %parallel_loop3A_136 = arith.index_cast %parallel_loop3A_93 : i32 to index
        %parallel_loop3A_137 = arith.constant 64 : index
        %parallel_loop3A_138 = tpu.vector_load %arg10[%parallel_loop3A_136, %parallel_loop3A_137] {strides = array<i32>} : memref<16x2000xf32, #tpu.memory_space<vmem>>, vector<16xf32>,
        tpu.vector_store %arg10[%parallel_loop3A_136, %parallel_loop3A_137], %parallel_loop3A_135 {strides = array<i32>} : memref<16x2000xf32, #tpu.memory_space<vmem>>, vector<16xf32>,
        %parallel_loop3A_139 = arith.constant 2000 : i32
        %parallel_loop3A_140 = arith.muli %parallel_loop3A_93, %parallel_loop3A_139 : i32
        %parallel_loop3A_141 = arith.constant 80 : i32
        %parallel_loop3A_142 = arith.addi %parallel_loop3A_140, %parallel_loop3A_141 : i32
        %parallel_loop3A_143 = arith.index_cast %parallel_loop3A_142 : i32 to index
        %parallel_loop3A_144 = tpu.vector_load %arg8[%parallel_loop3A_143] {strides = array<i32>} : memref<32000xf32, #tpu.memory_space<vmem>>, vector<16xf32>,
        %parallel_loop3A_145 = arith.index_cast %parallel_loop3A_93 : i32 to index
        %parallel_loop3A_146 = arith.constant 80 : index
        %parallel_loop3A_147 = tpu.vector_load %arg10[%parallel_loop3A_145, %parallel_loop3A_146] {strides = array<i32>} : memref<16x2000xf32, #tpu.memory_space<vmem>>, vector<16xf32>,
        tpu.vector_store %arg10[%parallel_loop3A_145, %parallel_loop3A_146], %parallel_loop3A_144 {strides = array<i32>} : memref<16x2000xf32, #tpu.memory_space<vmem>>, vector<16xf32>,
        %parallel_loop3A_148 = arith.constant 2000 : i32
        %parallel_loop3A_149 = arith.muli %parallel_loop3A_93, %parallel_loop3A_148 : i32
        %parallel_loop3A_150 = arith.constant 96 : i32
        %parallel_loop3A_151 = arith.addi %parallel_loop3A_149, %parallel_loop3A_150 : i32
        %parallel_loop3A_152 = arith.index_cast %parallel_loop3A_151 : i32 to index
        %parallel_loop3A_153 = tpu.vector_load %arg8[%parallel_loop3A_152] {strides = array<i32>} : memref<32000xf32, #tpu.memory_space<vmem>>, vector<16xf32>,
        %parallel_loop3A_154 = arith.index_cast %parallel_loop3A_93 : i32 to index
        %parallel_loop3A_155 = arith.constant 96 : index
        %parallel_loop3A_156 = tpu.vector_load %arg10[%parallel_loop3A_154, %parallel_loop3A_155] {strides = array<i32>} : memref<16x2000xf32, #tpu.memory_space<vmem>>, vector<16xf32>,
        tpu.vector_store %arg10[%parallel_loop3A_154, %parallel_loop3A_155], %parallel_loop3A_153 {strides = array<i32>} : memref<16x2000xf32, #tpu.memory_space<vmem>>, vector<16xf32>,
        %parallel_loop3A_157 = arith.constant 2000 : i32
        %parallel_loop3A_158 = arith.muli %parallel_loop3A_93, %parallel_loop3A_157 : i32
        %parallel_loop3A_159 = arith.constant 112 : i32
        %parallel_loop3A_160 = arith.addi %parallel_loop3A_158, %parallel_loop3A_159 : i32
        %parallel_loop3A_161 = arith.index_cast %parallel_loop3A_160 : i32 to index
        %parallel_loop3A_162 = tpu.vector_load %arg8[%parallel_loop3A_161] {strides = array<i32>} : memref<32000xf32, #tpu.memory_space<vmem>>, vector<16xf32>,
        %parallel_loop3A_163 = arith.index_cast %parallel_loop3A_93 : i32 to index
        %parallel_loop3A_164 = arith.constant 112 : index
        %parallel_loop3A_165 = tpu.vector_load %arg10[%parallel_loop3A_163, %parallel_loop3A_164] {strides = array<i32>} : memref<16x2000xf32, #tpu.memory_space<vmem>>, vector<16xf32>,
        tpu.vector_store %arg10[%parallel_loop3A_163, %parallel_loop3A_164], %parallel_loop3A_162 {strides = array<i32>} : memref<16x2000xf32, #tpu.memory_space<vmem>>, vector<16xf32>,
        %parallel_loop3A_166 = arith.constant 2000 : i32
        %parallel_loop3A_167 = arith.muli %parallel_loop3A_93, %parallel_loop3A_166 : i32
        %parallel_loop3A_168 = arith.constant 128 : i32
        %parallel_loop3A_169 = arith.addi %parallel_loop3A_167, %parallel_loop3A_168 : i32
        %parallel_loop3A_170 = arith.index_cast %parallel_loop3A_169 : i32 to index
        %parallel_loop3A_171 = tpu.vector_load %arg8[%parallel_loop3A_170] {strides = array<i32>} : memref<32000xf32, #tpu.memory_space<vmem>>, vector<16xf32>,
        %parallel_loop3A_172 = arith.index_cast %parallel_loop3A_93 : i32 to index
        %parallel_loop3A_173 = arith.constant 128 : index
        %parallel_loop3A_174 = tpu.vector_load %arg10[%parallel_loop3A_172, %parallel_loop3A_173] {strides = array<i32>} : memref<16x2000xf32, #tpu.memory_space<vmem>>, vector<16xf32>,
        tpu.vector_store %arg10[%parallel_loop3A_172, %parallel_loop3A_173], %parallel_loop3A_171 {strides = array<i32>} : memref<16x2000xf32, #tpu.memory_space<vmem>>, vector<16xf32>,
        %parallel_loop3A_175 = arith.constant 2000 : i32
        %parallel_loop3A_176 = arith.muli %parallel_loop3A_93, %parallel_loop3A_175 : i32
        %parallel_loop3A_177 = arith.constant 144 : i32
        %parallel_loop3A_178 = arith.addi %parallel_loop3A_176, %parallel_loop3A_177 : i32
        %parallel_loop3A_179 = arith.index_cast %parallel_loop3A_178 : i32 to index
        %parallel_loop3A_180 = tpu.vector_load %arg8[%parallel_loop3A_179] {strides = array<i32>} : memref<32000xf32, #tpu.memory_space<vmem>>, vector<16xf32>,
        %parallel_loop3A_181 = arith.index_cast %parallel_loop3A_93 : i32 to index
        %parallel_loop3A_182 = arith.constant 144 : index
        %parallel_loop3A_183 = tpu.vector_load %arg10[%parallel_loop3A_181, %parallel_loop3A_182] {strides = array<i32>} : memref<16x2000xf32, #tpu.memory_space<vmem>>, vector<16xf32>,
        tpu.vector_store %arg10[%parallel_loop3A_181, %parallel_loop3A_182], %parallel_loop3A_180 {strides = array<i32>} : memref<16x2000xf32, #tpu.memory_space<vmem>>, vector<16xf32>,
        %parallel_loop3A_184 = arith.constant 2000 : i32
        %parallel_loop3A_185 = arith.muli %parallel_loop3A_93, %parallel_loop3A_184 : i32
        %parallel_loop3A_186 = arith.constant 160 : i32
        %parallel_loop3A_187 = arith.addi %parallel_loop3A_185, %parallel_loop3A_186 : i32
        %parallel_loop3A_188 = arith.index_cast %parallel_loop3A_187 : i32 to index
        %parallel_loop3A_189 = tpu.vector_load %arg8[%parallel_loop3A_188] {strides = array<i32>} : memref<32000xf32, #tpu.memory_space<vmem>>, vector<16xf32>,
        %parallel_loop3A_190 = arith.index_cast %parallel_loop3A_93 : i32 to index
        %parallel_loop3A_191 = arith.constant 160 : index
        %parallel_loop3A_192 = tpu.vector_load %arg10[%parallel_loop3A_190, %parallel_loop3A_191] {strides = array<i32>} : memref<16x2000xf32, #tpu.memory_space<vmem>>, vector<16xf32>,
        tpu.vector_store %arg10[%parallel_loop3A_190, %parallel_loop3A_191], %parallel_loop3A_189 {strides = array<i32>} : memref<16x2000xf32, #tpu.memory_space<vmem>>, vector<16xf32>,
        %parallel_loop3A_193 = arith.constant 2000 : i32
        %parallel_loop3A_194 = arith.muli %parallel_loop3A_93, %parallel_loop3A_193 : i32
        %parallel_loop3A_195 = arith.constant 176 : i32
        %parallel_loop3A_196 = arith.addi %parallel_loop3A_194, %parallel_loop3A_195 : i32
        %parallel_loop3A_197 = arith.index_cast %parallel_loop3A_196 : i32 to index
        %parallel_loop3A_198 = tpu.vector_load %arg8[%parallel_loop3A_197] {strides = array<i32>} : memref<32000xf32, #tpu.memory_space<vmem>>, vector<16xf32>,
        %parallel_loop3A_199 = arith.index_cast %parallel_loop3A_93 : i32 to index
        %parallel_loop3A_200 = arith.constant 176 : index
        %parallel_loop3A_201 = tpu.vector_load %arg10[%parallel_loop3A_199, %parallel_loop3A_200] {strides = array<i32>} : memref<16x2000xf32, #tpu.memory_space<vmem>>, vector<16xf32>,
        tpu.vector_store %arg10[%parallel_loop3A_199, %parallel_loop3A_200], %parallel_loop3A_198 {strides = array<i32>} : memref<16x2000xf32, #tpu.memory_space<vmem>>, vector<16xf32>,
        %parallel_loop3A_202 = arith.constant 2000 : i32
        %parallel_loop3A_203 = arith.muli %parallel_loop3A_93, %parallel_loop3A_202 : i32
        %parallel_loop3A_204 = arith.constant 192 : i32
        %parallel_loop3A_205 = arith.addi %parallel_loop3A_203, %parallel_loop3A_204 : i32
        %parallel_loop3A_206 = arith.index_cast %parallel_loop3A_205 : i32 to index
        %parallel_loop3A_207 = tpu.vector_load %arg8[%parallel_loop3A_206] {strides = array<i32>} : memref<32000xf32, #tpu.memory_space<vmem>>, vector<16xf32>,
        %parallel_loop3A_208 = arith.index_cast %parallel_loop3A_93 : i32 to index
        %parallel_loop3A_209 = arith.constant 192 : index
        %parallel_loop3A_210 = tpu.vector_load %arg10[%parallel_loop3A_208, %parallel_loop3A_209] {strides = array<i32>} : memref<16x2000xf32, #tpu.memory_space<vmem>>, vector<16xf32>,
        tpu.vector_store %arg10[%parallel_loop3A_208, %parallel_loop3A_209], %parallel_loop3A_207 {strides = array<i32>} : memref<16x2000xf32, #tpu.memory_space<vmem>>, vector<16xf32>,
        %parallel_loop3A_211 = arith.constant 2000 : i32
        %parallel_loop3A_212 = arith.muli %parallel_loop3A_93, %parallel_loop3A_211 : i32
        %parallel_loop3A_213 = arith.constant 208 : i32
        %parallel_loop3A_214 = arith.addi %parallel_loop3A_212, %parallel_loop3A_213 : i32
        %parallel_loop3A_215 = arith.index_cast %parallel_loop3A_214 : i32 to index
        %parallel_loop3A_216 = tpu.vector_load %arg8[%parallel_loop3A_215] {strides = array<i32>} : memref<32000xf32, #tpu.memory_space<vmem>>, vector<16xf32>,
        %parallel_loop3A_217 = arith.index_cast %parallel_loop3A_93 : i32 to index
        %parallel_loop3A_218 = arith.constant 208 : index
        %parallel_loop3A_219 = tpu.vector_load %arg10[%parallel_loop3A_217, %parallel_loop3A_218] {strides = array<i32>} : memref<16x2000xf32, #tpu.memory_space<vmem>>, vector<16xf32>,
        tpu.vector_store %arg10[%parallel_loop3A_217, %parallel_loop3A_218], %parallel_loop3A_216 {strides = array<i32>} : memref<16x2000xf32, #tpu.memory_space<vmem>>, vector<16xf32>,
        %parallel_loop3A_220 = arith.constant 2000 : i32
        %parallel_loop3A_221 = arith.muli %parallel_loop3A_93, %parallel_loop3A_220 : i32
        %parallel_loop3A_222 = arith.constant 224 : i32
        %parallel_loop3A_223 = arith.addi %parallel_loop3A_221, %parallel_loop3A_222 : i32
        %parallel_loop3A_224 = arith.index_cast %parallel_loop3A_223 : i32 to index
        %parallel_loop3A_225 = tpu.vector_load %arg8[%parallel_loop3A_224] {strides = array<i32>} : memref<32000xf32, #tpu.memory_space<vmem>>, vector<16xf32>,
        %parallel_loop3A_226 = arith.index_cast %parallel_loop3A_93 : i32 to index
        %parallel_loop3A_227 = arith.constant 224 : index
        %parallel_loop3A_228 = tpu.vector_load %arg10[%parallel_loop3A_226, %parallel_loop3A_227] {strides = array<i32>} : memref<16x2000xf32, #tpu.memory_space<vmem>>, vector<16xf32>,
        tpu.vector_store %arg10[%parallel_loop3A_226, %parallel_loop3A_227], %parallel_loop3A_225 {strides = array<i32>} : memref<16x2000xf32, #tpu.memory_space<vmem>>, vector<16xf32>,
        %parallel_loop3A_229 = arith.constant 2000 : i32
        %parallel_loop3A_230 = arith.muli %parallel_loop3A_93, %parallel_loop3A_229 : i32
        %parallel_loop3A_231 = arith.constant 240 : i32
        %parallel_loop3A_232 = arith.addi %parallel_loop3A_230, %parallel_loop3A_231 : i32
        %parallel_loop3A_233 = arith.index_cast %parallel_loop3A_232 : i32 to index
        %parallel_loop3A_234 = tpu.vector_load %arg8[%parallel_loop3A_233] {strides = array<i32>} : memref<32000xf32, #tpu.memory_space<vmem>>, vector<16xf32>,
        %parallel_loop3A_235 = arith.index_cast %parallel_loop3A_93 : i32 to index
        %parallel_loop3A_236 = arith.constant 240 : index
        %parallel_loop3A_237 = tpu.vector_load %arg10[%parallel_loop3A_235, %parallel_loop3A_236] {strides = array<i32>} : memref<16x2000xf32, #tpu.memory_space<vmem>>, vector<16xf32>,
        tpu.vector_store %arg10[%parallel_loop3A_235, %parallel_loop3A_236], %parallel_loop3A_234 {strides = array<i32>} : memref<16x2000xf32, #tpu.memory_space<vmem>>, vector<16xf32>,
      } {sc.loop_unroll_factor = 1 : i64, sc.parallel_access}
      %dma_start3A_82 = arith.constant 0 : i32
      %dma_start3A_83 = tpu.memref_slice %arg4[%add3A_66, %dma_start3A_82] : memref<16384x2000xf32, #tpu.memory_space<hbm>> -> memref<16x2000xf32, #tpu.memory_space<hbm>>
      %dma_start3A_84 = arith.constant 0 : i32
      %dma_start3A_85 = tpu.memref_slice %arg4[%add3A_66, %dma_start3A_84] : memref<16384x2000xf32, #tpu.memory_space<hbm>> -> memref<16x2000xf32, #tpu.memory_space<hbm>>
      tpu.enqueue_dma source(%arg10 : memref<16x2000xf32, #tpu.memory_space<vmem>>) target(%dma_start3A_85 : memref<16x2000xf32, #tpu.memory_space<hbm>>) target_semaphore(%arg14 : memref<!tpu.dma_semaphore, #tpu.memory_space<semaphore_mem>>)
      %add3A_86 = arith.constant 2 : i32
      %add3A_87 = arith.addi %add3A_63, %add3A_86 : i32
      %lt3A_88 = arith.constant 32 : i32
      %lt3A_89 = arith.cmpi slt, %add3A_87, %lt3A_88 : i32
      %convert_element_type3A_90 = arith.extui %lt3A_89 : i1 to i32
      %cond3A_91 = arith.constant 0 : i32
      %cond3A_92 = arith.cmpi ne, %convert_element_type3A_90, %cond3A_91 : i32
      scf.if %cond3A_92 {
        %add3A_93 = arith.constant 32 : i32
        %add3A_94 = arith.addi %add3A_66, %add3A_93 : i32
        %mul3A_95 = arith.constant 100 : i32
        %mul3A_96 = arith.muli %add3A_94, %mul3A_95 : i32
        %dma_start3A_97 = tpu.memref_slice %arg3[%mul3A_96] : memref<1638400xi32, #tpu.memory_space<hbm>> -> memref<1600xi32, #tpu.memory_space<hbm>>
        %dma_start3A_98 = tpu.memref_slice %arg3[%mul3A_96] : memref<1638400xi32, #tpu.memory_space<hbm>> -> memref<1600xi32, #tpu.memory_space<hbm>>
        tpu.enqueue_dma source(%dma_start3A_98 : memref<1600xi32, #tpu.memory_space<hbm>>) target(%arg7 : memref<1600xi32, #tpu.memory_space<vmem>>) target_semaphore(%arg12 : memref<!tpu.dma_semaphore, #tpu.memory_space<semaphore_mem>>)
      } else {
      }
    }
    %scan3A_19 = arith.constant 16 : i32
    %add3A_20 = arith.constant 480 : i32
    %add3A_21 = arith.addi %mul3A_5, %add3A_20 : i32
    %dma_wait3A = arith.constant 0 : i32
    %dma_wait3A_22 = tpu.memref_slice %arg4[%add3A_21, %dma_wait3A] : memref<16384x2000xf32, #tpu.memory_space<hbm>> -> memref<16x2000xf32, #tpu.memory_space<hbm>>
    %dma_wait3A_23 = arith.constant 0 : i32
    %dma_wait3A_24 = tpu.memref_slice %arg4[%add3A_21, %dma_wait3A_23] : memref<16384x2000xf32, #tpu.memory_space<hbm>> -> memref<16x2000xf32, #tpu.memory_space<hbm>>
    tpu.wait_dma2 semaphore(%arg13 : memref<!tpu.dma_semaphore, #tpu.memory_space<semaphore_mem>>) src(%arg9 : memref<16x2000xf32, #tpu.memory_space<vmem>>) dst(%dma_wait3A_24 : memref<16x2000xf32, #tpu.memory_space<hbm>>)
    %add3A_25 = arith.constant 496 : i32
    %add3A_26 = arith.addi %mul3A_5, %add3A_25 : i32
    %dma_wait3A_27 = arith.constant 0 : i32
    %dma_wait3A_28 = tpu.memref_slice %arg4[%add3A_26, %dma_wait3A_27] : memref<16384x2000xf32, #tpu.memory_space<hbm>> -> memref<16x2000xf32, #tpu.memory_space<hbm>>
    %dma_wait3A_29 = arith.constant 0 : i32
    %dma_wait3A_30 = tpu.memref_slice %arg4[%add3A_26, %dma_wait3A_29] : memref<16384x2000xf32, #tpu.memory_space<hbm>> -> memref<16x2000xf32, #tpu.memory_space<hbm>>
    tpu.wait_dma2 semaphore(%arg14 : memref<!tpu.dma_semaphore, #tpu.memory_space<semaphore_mem>>) src(%arg10 : memref<16x2000xf32, #tpu.memory_space<vmem>>) dst(%dma_wait3A_30 : memref<16x2000xf32, #tpu.memory_space<hbm>>)
    return
  }
}

</mosaic_0001>

<sc_bundles>
// kernel: _gather.3.cloned.1.call-start
scs
__scs_entry_jumppad:
0x0: {  	(pc) =	sbr.rel $0x88, $3  }
0x1: {  	(tag) =	ssettag $0x0;
	lr =	simm.s32 $0x1  }
0x2: {  	[smem:$0x3F9F] =	sst lr;
	_ =	strace $0xD0000000  }
0x3: {  	_ = 	snop  }
0x4: {  	_ = 	snop  }
0x5: {  	_ = 	snop  }
0x6: {  	_ = 	snop  }
0x7: {  	_ = 	snop  }
__scs_overlays_trampoline_lowered:
0x8: {  	[smem:$0x3FAE] =	sst s0  }
0x9: {  	[smem:$0x3FAF] =	sst s1  }
0xa: {  	[smem:$0x3FB0] =	sst s2  }
0xb: {  	[smem:$0x3FB1] =	sst s3  }
0xc: {  	[smem:$0x3FB2] =	sst s4  }
0xd: {  	[smem:$0x3FB3] =	sst s5  }
0xe: {  	[smem:$0x3FB4] =	sst s6  }
0xf: {  	[smem:$0x3FB5] =	sst s7  }
0x10: {  	[smem:$0x3FB6] =	sst s8  }
0x11: {  	[smem:$0x3FB7] =	sst s9;
	s0 =	simm.s32 @!p0 $0x0  }
0x12: {  	s1 =	sld [smem:$0x3F9D];
	s0 =	simm.s32 @p0 $0x1  }
0x13: {  	[smem:$0x3FB8] =	sst s0;
	s0 =	simm.s32 @!p1 $0x0  }
0x14: {  	s2 =	sld [smem:$0x3F9C];
	s0 =	simm.s32 @p1 $0x1  }
0x15: {  	[smem:$0x3FB9] =	sst s0;
	s0 =	simm.s32 @!p2 $0x0  }
0x16: {  	s3 =	sld [smem:$0x3FDB];
	s0 =	simm.s32 @p2 $0x1  }
0x17: {  	s4 =	simm.s32 $0x1BF5;
	[smem:$0x3FBB] =	sst s0  }
0x18: {  	s0 =	sld [smem:$0x3F9E];
	_ =	swait.ge [sflag:s4], $0x0  }
0x19: {  	s7 =	sld [smem:$0x3F9F]  }
0x1a: {  	s8 =	sadd.s32 $0xFFFFE003, lr  }
0x1b: {  	s9 =	sadd.s32 $0xFFFFFEF7, lr;
	s5 =	simm.s32 $0xFFFFFFFF;
	p2 =	slt.u32 s8, $0xFFFFF086  }
0x1c: {  	p1 =	slt.u32 s9, $0xF7A;
	s5 =	simm.s32 @!p2 $0x0  }
0x1d: {  	s5 =	simm.s32 @p1 $0x1;
	p0 =	seq.s32 s7, s2  }
0x1e: {  	s7 =	smul.u32 @!p0 $0xF7A, s2;
	p2 =	seq.s32 @!p0 s5, $0x0  }
0x1f: {  	s9 =	smul.u32 $0xF7A, s1;
	s8 =	simm.s32 @!p0 $0x1BF5;
	p2 =	por !p2, p0  }
0x20: {  	[sflag:s8] =	ssyncset.s32 @!p0 $0xFFFFF086;
	s6 =	sadd.s32 @!p0 s3, s7;
	s7 =	simm.s32 @!p0 $0x108  }
0x21: {  	s3 =	sadd.s32 s3, s9;
	s6 =	sadd.s32 @!p0 $0x88, s6;
	s7 =	simm.s32 @p2 $0x1082  }
0x22: {  	[simem:s7], [sflag:s8] =	dma.local @!p0 [hbm:s6], $0xF7A  }
0x23: {  	s9 =	sor.u32 $0xD0000000, s2;
	s6 =	simm.s32 $0x108;
	_ =	swait.ge @!p0 [sflag:s8], $0x0  }
0x24: {  	s3 =	sadd.s32 $0x88, s3;
	s6 =	simm.s32 @!p1 $0x1082;
	[sflag:s4] =	ssyncset.s32 $0xFFFFF086  }
0x25: {  	[simem:s6], [sflag:s4] =	dma.local [hbm:s3], $0xF7A  }
0x26: {  	[smem:$0x3F9F] =	sst s1;
	(tag) =	ssettag s2;
	_ =	strace s9  }
0x27: {  	s1 =	sld [smem:$0x3FAF]  }
0x28: {  	s2 =	sld [smem:$0x3FB0]  }
0x29: {  	s4 =	sld [smem:$0x3FB2]  }
0x2a: {  	p0 =	seq.s32 s5, $0x0;
	s5 =	sld [smem:$0x3FB3]  }
0x2b: {  	s6 =	sld [smem:$0x3FB4]  }
0x2c: {  	s7 =	sld [smem:$0x3FB5]  }
0x2d: {  	s3 =	simm.s32 $0x108;
	s8 =	sld [smem:$0x3FB6]  }
0x2e: {  	s3 =	simm.s32 @!p0 $0x1082;
	s9 =	sld [smem:$0x3FB7]  }
0x2f: {  	lr =	sadd.s32 s0, s3;
	s0 =	sld [smem:$0x3FAE]  }
0x30: {  	s3 =	sld [smem:$0x3FB1]  }
0x31: {  	[smem:$0x3FBA] =	sst s10  }
0x32: {  	s10 =	sld [smem:$0x3FB8];
	_ =	sdelay $0x3  }
0x33: {  	p0 =	seq.s32 s10, $0x1;
	s10 =	sld [smem:$0x3FBA];
	_ =	sdelay $0x3  }
0x34: {  	[smem:$0x3FBA] =	sst s10  }
0x35: {  	s10 =	sld [smem:$0x3FB9];
	_ =	sdelay $0x3  }
0x36: {  	p1 =	seq.s32 s10, $0x1;
	s10 =	sld [smem:$0x3FBA];
	_ =	sdelay $0x3  }
0x37: {  	[smem:$0x3FBA] =	sst s10  }
0x38: {  	s10 =	sld [smem:$0x3FBB]  }
0x39: {  	_ = 	snop;
	(pc) =	sbr.ind lr, $3  }
0x3a: {  	_ = 	snop  }
0x3b: {  	_ = 	snop  }
0x3c: {  	p2 =	seq.s32 s10, $0x1;
	s10 =	sld [smem:$0x3FBA]  }
0x3d: {  	_ =	shalt  }
0x3e: {  	_ =	shalt  }
0x3f: {  	_ =	shalt  }
0x40: {  	_ =	shalt  }
0x41: {  	_ =	shalt  }
0x42: {  	_ =	shalt  }
0x43: {  	_ =	shalt  }
0x44: {  	_ =	shalt  }
0x45: {  	_ =	shalt  }
0x46: {  	_ =	shalt  }
0x47: {  	_ =	shalt  }
0x48: {  	_ =	shalt  }
0x49: {  	_ =	shalt  }
0x4a: {  	_ =	shalt  }
0x4b: {  	_ =	shalt  }
0x4c: {  	_ =	shalt  }
0x4d: {  	_ =	shalt  }
0x4e: {  	_ =	shalt  }
0x4f: {  	_ =	shalt  }
0x50: {  	_ =	shalt  }
0x51: {  	_ =	shalt  }
0x52: {  	_ =	shalt  }
0x53: {  	_ =	shalt  }
0x54: {  	_ =	shalt  }
0x55: {  	_ =	shalt  }
0x56: {  	_ =	shalt  }
0x57: {  	_ =	shalt  }
0x58: {  	_ =	shalt  }
0x59: {  	_ =	shalt  }
0x5a: {  	_ =	shalt  }
0x5b: {  	_ =	shalt  }
0x5c: {  	_ =	shalt  }
0x5d: {  	_ =	shalt  }
0x5e: {  	_ =	shalt  }
0x5f: {  	_ =	shalt  }
0x60: {  	_ =	shalt  }
0x61: {  	_ =	shalt  }
0x62: {  	_ =	shalt  }
0x63: {  	_ =	shalt  }
0x64: {  	_ =	shalt  }
0x65: {  	_ =	shalt  }
0x66: {  	_ =	shalt  }
0x67: {  	_ =	shalt  }
0x68: {  	_ =	shalt  }
0x69: {  	_ =	shalt  }
0x6a: {  	_ =	shalt  }
0x6b: {  	_ =	shalt  }
0x6c: {  	_ =	shalt  }
0x6d: {  	_ =	shalt  }
0x6e: {  	_ =	shalt  }
0x6f: {  	_ =	shalt  }
0x70: {  	_ =	shalt  }
0x71: {  	_ =	shalt  }
0x72: {  	_ =	shalt  }
0x73: {  	_ =	shalt  }
0x74: {  	_ =	shalt  }
0x75: {  	_ =	shalt  }
0x76: {  	_ =	shalt  }
0x77: {  	_ =	shalt  }
0x78: {  	_ =	shalt  }
0x79: {  	_ =	shalt  }
0x7a: {  	_ =	shalt  }
0x7b: {  	_ =	shalt  }
0x7c: {  	_ =	shalt  }
0x7d: {  	_ =	shalt  }
0x7e: {  	_ =	shalt  }
0x7f: {  	_ =	shalt  }
0x80: {  	_ =	shalt  }
0x81: {  	_ =	shalt  }
0x82: {  	_ =	shalt  }
0x83: {  	_ =	shalt  }
0x84: {  	_ =	shalt  }
0x85: {  	_ =	shalt  }
0x86: {  	_ =	shalt  }
0x87: {  	_ =	shalt  }
.Lfunc_end0:
.L_simem_size_0:
called_computation_lowered:
.L_overlay_start_0:
0x88: {  	s2 =	sld [smem:$0x3FD9]  }
0x89: {  	s3 =	sld [smem:$0x3FFE];
	_ =	sdelay $0x1  }
0x8a: {  	s1 =	srdreg.scid  }
0x8b: {  	s0 =	sand.u32 $0x1, s1  }
0x8c: {  	s17 =	sshll.u32 s0, $0xA;
	s2 =	sadd.s32 s3, s2  }
0x8d: {  	s2 =	sadd.s32 s2, s17  }
0x8e: {  	[smem:$0x3FC6] =	sst s2  }
0x8f: {  	_ = 	snop  }
0x90: {  	s2 =	sld [smem:$0x3FC9]  }
0x91: {  	s18 =	sld [smem:$0x3FC8];
	(tm) =	ssettm $0x1  }
0x92: {  	s4 =	sld [smem:$0x3FFB];
	_ =	sdelay $0x3  }
0x93: {  	_ =	strace s4  }
0x94: {  	s4 =	sld [smem:$0x3FFC];
	_ =	sdelay $0x3  }
0x95: {  	_ =	strace s4  }
0x96: {  	s4 =	sld [smem:$0x3FFD];
	_ =	sdelay $0x3  }
0x97: {  	_ =	strace s4  }
0x98: {  	_ =	strace $0x8FFFFFFF  }
0x99: {  	s19 =	sld [smem:$0x3FDB];
	_ =	sdelay $0x1  }
0x9a: {  	s5 =	simm.s32 $_scs_section_size  }
0x9b: {  	s6 =	simm.s32 $_size__tile_overlayer_lowered;
	s7 =	simm.s32 $_tile_overlayer_lowered  }
0x9c: {  	s22 =	simm.s32 $0x1BFF;
	s21 =	sshll.u32 s7, $0x1;
	s4 =	sadd.s32 s5, s19  }
0x9d: {  	s8 =	simm.s32 $0x0;
	s20 =	sshll.u32 s6, $0x1;
	s6 =	sadd.s32 s21, s4  }
0x9e: {  	[timem:s8], [sflag:s22] =	dma.local [hbm:s6], s20  }
0x9f: {  	_ =	swait.ge [sflag:s22], s20  }
0xa0: {  	s5 =	ssub.s32 $0x0, s20;
	[sflag:s22] =	ssyncset.done $0x0  }
0xa1: {  	[sflag:s22] =	ssyncadd.s32 s5;
	_ =	sdelay $0x1  }
0xa2: {  	s23 =	simm.s32 $0x1B8B  }
0xa3: {  	_ =	swait.ge [sflag:s23], $0x1  }
0xa4: {  	[sflag:s23] =	ssyncset.done $0x0  }
0xa5: {  	s25 =	simm.s32 $0x1B8E;
	s24 =	sld [smem:$0x3FFE];
	[sflag:s23] =	ssyncadd.s32 $0xFFFFFFFF  }
0xa6: {  	s26 =	simm.s32 $execute0_lowered;
	[smem:$0x3FD2] =	sst s25  }
0xa7: {  	s6 =	sshll.u32 s26, $0x1;
	_ =	strace $0x80000046;
	[dreg:$0x1] =	wrdreg $0xFFFFFFFF  }
0xa8: {  	s28 =	simm.s32 $_size_execute0_lowered;
	s4 =	sadd.s32 s4, s6;
	[dreg:$0x0] =	wrdreg $0x0  }
0xa9: {  	s6 =	sshll.u32 s28, $0x1;
	[dreg:$0x2] =	wrdreg s4  }
0xaa: {  	[dreg:$0x3] =	wrdreg s6  }
0xab: {  	[dreg:$0x4] =	wrdreg $0xC0  }
0xac: {  	_ =	task [dreg:s8], $0x5FFFF  }
0xad: {  	[dreg:$0x1] =	wrdreg $0xFFFFFFFF  }
0xae: {  	[dreg:$0x0] =	wrdreg $0x60  }
0xaf: {  	[dreg:$0x2] =	wrdreg s2  }
0xb0: {  	[dreg:$0x3] =	wrdreg s18  }
0xb1: {  	[dreg:$0x4] =	wrdreg s24  }
0xb2: {  	[dreg:$0x5] =	wrdreg $0x9  }
0xb3: {  	_ =	task.clear_ibuf [dreg:s8], $0x6FFFF;
	_ =	strace $0x90000046  }
0xb4: {  	s29 =	simm.s32 $0x9;
	_ =	strace $0x80000048  }
0xb5: {  	_ =	swait.ge [sflag:s29], $0x1  }
0xb6: {  	[sflag:s29] =	ssyncadd.s32 $0xFFFFFFFF  }
0xb7: {  	_ =	strace $0x90000048  }
0xb8: {  	_ =	sfence  }
0xb9: {  	s30 =	sld [smem:$0x0];
	_ =	sdelay $0x2  }
0xba: {  	s31 =	sshll.u32 s1, $0xD;
	s1 =	sshrl.u32 s1, $0x2  }
0xbb: {  	s3 =	sand.u32 $0x4000, s31;
	s1 =	sadd.s32 s1, s30  }
0xbc: {  	s0 =	sor.u32 s3, s0;
	s1 =	sshll.u32 s1, $0x11  }
0xbd: {  	s0 =	sor.u32 s1, s0  }
0xbe: {  	s0 =	sadd.s32 $0x8F2B, s0  }
0xbf: {  	[sflag:s0] =	ssyncadd.remote.s32 $0x1  }
0xc0: {  	_ =	sfence.sel $0xFFFF  }
0xc1: {  	[dreg:$0x0] =	wrdreg $0xFFFFFFFF;
	(pc) =	sbr.abs _section_cstart, $3  }
0xc2: {  	[dreg:$0x1] =	wrdreg $0xFFFFFFFF  }
0xc3: {  	_ =	task.clear_ibuf [dreg:s8], $0x2FFFF;
	_ =	strace $0x9FFFFFFF  }
0xc4: {  	(tm) =	ssettm $0x7FFFFFFF  }
0xc5: {  	_ =	shalt  }
tec
execute0_lowered:
.L_overlay_start_1:
0x0: {  	(tag) =	ssettag $0x1  }
0x1: {  	s3 =	rddreg [dreg:$0x1];
	s0 =	srdreg.scid  }
0x2: {  	s2 =	stileid.u32;
	s1 =	rddreg [dreg:$0x2];
	s4 =	simm.s32 $0x0  }
0x3: {  	s13 =	simm.s32 $0x1;
	s0 =	sand.u32 $0x1, s0;
	s2 =	sshll.u32 s2, $0x1  }
0x4: {  	s14 =	simm.s32 $0x2200;
	s15 =	simm.s32 $0x9F00;
	s2 =	sor.u32 s0, s2  }
0x5: {  	s16 =	simm.s32 $0x2;
	s0 =	ssub.s32 $0x2, s0;
	s6 =	smul.u32 $0x1900, s2  }
.Ltmp0:
0x6: {  	s17 =	simm.s32 $0x11F00;
	s30 =	sshrl.u32 s0, $0x1;
	(pc) =	sbr.rel .LBB2_1-.Ltmp0, $4  }
0x7: {  	v0 =	vlaneseq.u32;
	[smem:$0x7FF] =	sst s4;
	s0 =	ssub.s32 s0, s30;
	s6 =	sadd.s32 s3, s6  }
0x8: {  	v0 =	vmul.u32 $0x14, v0;
	_ =	strace $0x80000047;
	s0 =	smax.u32 s0, $0x1;
	[dreg:$0x4] =	wrdreg s6  }
0x9: {  	s5 =	sadd.s32 $0x400, s1;
	s31 =	sadd.s32 $0xC8, s6;
	[dreg:$0x6] =	wrdreg s0  }
0xa: {  	s7 =	sshll.u32 s2, $0x9;
	v1 =	vor.u32 $0x1, v0;
	s2 =	simm.s32 $0x0;
	[dreg:$0x5] =	wrdreg s31  }
.LBB2_12:
0xb: {  	s0 =	simm.s32 $0x3  }
0xc: {  	_ =	swait.ge [sflag:s0], $0x8000  }
0xd: {  	[sflag:s0] =	ssyncset.done $0x0  }
0xe: {  	s1 =	simm.s32 $0x4;
	[sflag:s0] =	ssyncadd.s32 $0xFFFF8000  }
0xf: {  	_ =	swait.ge [sflag:s1], $0x8000  }
0x10: {  	s2 =	rddreg [dreg:$0x7]  }
0x11: {  	s31 =	rddreg [dreg:$0x6];
	s2 =	sadd.s32 $0x1, s2  }
0x12: {  	p0 =	sne.s32 s2, s31  }
.Ltmp1:
0x13: {  	_ = 	snop;
	(pc) =	sbr.rel @!p0 .LBB2_13-.Ltmp1, $3  }
0x14: {  	_ =	sdelay $0x1  }
0x15: {  	[sflag:s1] =	ssyncset.done $0x0  }
0x16: {  	[sflag:s1] =	ssyncadd.s32 $0xFFFF8000  }
.LBB2_1:
0x17: {  	[dreg:$0x7] =	wrdreg s2  }
0x18: {  	s0 =	rddreg [dreg:$0x0];
	s28 =	simm.s32 $0x5  }
0x19: {  	[tilespmem:s4], [sflag:$0x5] =	stream.linear.gather [hbm4b:s0+s4], $0x1500, $0x38;
	[tilespmem:$0x19F00] =	vst v63  }
0x1a: {  	_ =	swait.ge [sflag:s28], $0x1500  }
0x1b: {  	[sflag:s28] =	ssyncset.done $0x0  }
0x1c: {  	s1 =	simm.s32 $0x1500;
	s29 =	rddreg [dreg:$0x4];
	[sflag:s28] =	ssyncadd.s32 $0xFFFFEB00  }
0x1d: {  	[tilespmem:s1], [sflag:$0x1] =	stream.linear.gather [hbm4b:s29+s4], $0x640, $0x38;
	[tilespmem:$0x19F00] =	vst v63  }
0x1e: {  	s31 =	simm.s32 $0x1B80;
	s21 =	simm.s32 $0x0;
	s30 =	rddreg [dreg:$0x5]  }
0x1f: {  	[tilespmem:s31], [sflag:$0x2] =	stream.linear.gather [hbm4b:s30+s4], $0x640, $0x38;
	[tilespmem:$0x19F00] =	vst v63  }
.LBB2_2:
0x20: {  	_ =	swait.ge [sflag:s13], $0x640  }
0x21: {  	p1 =	seq.s32 s21, $0x0;
	[sflag:s13] =	ssyncset.done $0x0  }
0x22: {  	s0 =	simm.s32 @!p1 $0x3;
	[sflag:s13] =	ssyncadd.s32 $0xFFFFF9C0  }
0x23: {  	_ =	swait.ge @!p1 [sflag:s0], $0x8000  }
0x24: {  	[sflag:s0] =	ssyncset.done @!p1 $0x0  }
0x25: {  	s29 =	simm.s32 $0x1500;
	[sflag:s0] =	ssyncadd.s32 @!p1 $0xFFFF8000  }
0x26: {  	v2 =	vld [tilespmem:s29+$0x0];
	_ =	sdelay $0x3  }
0x27: {  	s30 =	simm.s32 $0x1510  }
0x28: {  	v3 =	vld [tilespmem:s30+$0x0];
	vm0 =	vgt.s32 v2, $0x0  }
0x29: {  	v2 =	vnsel vm0, $0x0, v2  }
0x2a: {  	v2 =	vmin.u32 v2, $0xFF  }
0x2b: {  	v2 =	vmul.u32 $0x15, v2;
	_ =	sdelay $0x1  }
0x2c: {  	s31 =	simm.s32 $0x1520;
	vm0 =	vgt.s32 v3, $0x0;
	v7 =	vadd.s32 $0x1, v2  }
0x2d: {  	v4 =	vld [tilespmem:s31+$0x0];
	v3 =	vnsel vm0, $0x0, v3  }
0x2e: {  	v3 =	vmin.u32 v3, $0xFF  }
0x2f: {  	s0 =	simm.s32 $0x0;
	v5 =	vmul.u32 $0x15, v3  }
0x30: {  	v6 =	vadd.s32 s0, v0;
	v2 =	vld.idx.msk [tilespmem:v2+s0+$0x0], $0xffff  }
0x31: {  	s1 =	sshll.u32 s21, $0x5;
	s2 =	simm.s32 $0x140;
	s6 =	simm.s32 $0x3C0;
	v8 =	vadd.s32 $0x1, v5;
	v3 =	vld.idx.msk [tilespmem:v7+s0+$0x0], $0xffff;
	v7 =	vadd.s32 s0, v1  }
0x32: {  	s8 =	simm.s32 $0x1530;
	s22 =	sor.u32 s7, s1;
	s1 =	simm.s32 $0x280;
	vm0 =	vgt.s32 v4, $0x0  }
.LBB2_3:
0x33: {  	p0 =	sne.s32 s6, $0x7BC0;
	v9 =	vnsel vm0, $0x0, v4;
	v4 =	vld [tilespmem:s8+$0x0];
	s9 =	smov.u32 s6;
	s6 =	sadd.s32 $0x140, s6  }
.Ltmp2:
0x34: {  	v9 =	vmin.u32 v9, $0xFF;
	(pc) =	sbr.rel @p0 .LBB2_3-.Ltmp2, $4  }
0x35: {  	[tilespmem:v6+s14+$0x0] =	vst.idx.msk $0xffff, v2;
	v2 =	vld.idx.msk [tilespmem:v5+s0+$0x0], $0xffff;
	v5 =	vmul.u32 $0x15, v9  }
0x36: {  	v6 =	vadd.s32 s2, v0;
	[tilespmem:v7+s14+$0x0] =	vst.idx.msk $0xffff, v3;
	v3 =	vld.idx.msk [tilespmem:v8+s0+$0x0], $0xffff  }
0x37: {  	v7 =	vadd.s32 s2, v1;
	s2 =	smov.u32 s1;
	s1 =	smov.u32 s9;
	v8 =	vadd.s32 $0x1, v5  }
0x38: {  	s8 =	sadd.s32 $0x10, s8;
	vm0 =	vgt.s32 v4, $0x0  }
0x39: {  	v4 =	vnsel vm0, $0x0, v4  }
0x3a: {  	v4 =	vmin.u32 v4, $0xFF  }
0x3b: {  	v4 =	vmul.u32 $0x15, v4;
	_ =	sdelay $0x1  }
0x3c: {  	v9 =	vadd.s32 $0x1, v4;
	_ =	sdelay $0x1  }
0x3d: {  	v5 =	vld.idx.msk [tilespmem:v5+s0+$0x0], $0xffff;
	v10 =	vadd.s32 s2, v0  }
0x3e: {  	v8 =	vld.idx.msk [tilespmem:v8+s0+$0x0], $0xffff;
	v11 =	vadd.s32 s2, v1  }
0x3f: {  	v12 =	vadd.s32 s1, v0;
	v4 =	vld.idx.msk [tilespmem:v4+s0+$0x0], $0xffff  }
0x40: {  	[tilespmem:v6+s14+$0x0] =	vst.idx.msk $0xffff, v2;
	v6 =	vadd.s32 s1, v1;
	v2 =	vld.idx.msk [tilespmem:v9+s0+$0x0], $0xffff  }
0x41: {  	[tilespmem:v7+s14+$0x0] =	vst.idx.msk $0xffff, v3  }
0x42: {  	[tilespmem:v10+s14+$0x0] =	vst.idx.msk $0xffff, v5  }
0x43: {  	[tilespmem:v11+s14+$0x0] =	vst.idx.msk $0xffff, v8  }
0x44: {  	[tilespmem:v12+s14+$0x0] =	vst.idx.msk $0xffff, v4  }
0x45: {  	s24 =	simm.s32 $0x2290;
	[tilespmem:v6+s14+$0x0] =	vst.idx.msk $0xffff, v2  }
0x46: {  	v2 =	vld [tilespmem:s24+$0xFFFFFF70];
	_ =	sdelay $0x2  }
0x47: {  	s20 =	sand.u32 $0x4000, s0;
	s23 =	sand.u32 $0x380, s0  }
0x48: {  	s23 =	sor.u32 s23, s20  }
0x49: {  	[tilespmem:s23+$0x9F00] =	vst v2  }
0x4a: {  	v2 =	vld [tilespmem:s24+$0xFFFFFF80];
	_ =	sdelay $0x4  }
0x4b: {  	[tilespmem:s23+$0x9F10] =	vst v2  }
0x4c: {  	v2 =	vld [tilespmem:s24+$0xFFFFFF90];
	_ =	sdelay $0x2  }
0x4d: {  	s26 =	simm.s32 $0x2A60  }
0x4e: {  	v3 =	vld [tilespmem:s26+$0xFFFFFF70]  }
0x4f: {  	[tilespmem:s23+$0x9F20] =	vst v2  }
0x50: {  	s25 =	simm.s32 $0x80;
	s6 =	simm.s32 $0x800;
	v2 =	vld [tilespmem:s24+$0xFFFFFFA0]  }
0x51: {  	s2 =	sand.u32 $0x4000, s6;
	s1 =	sand.u32 $0x380, s25  }
0x52: {  	s25 =	sor.u32 s1, s2  }
0x53: {  	[tilespmem:s25+$0x9F00] =	vst v3  }
0x54: {  	v3 =	vld [tilespmem:s26+$0xFFFFFF80]  }
0x55: {  	[tilespmem:s23+$0x9F30] =	vst v2  }
0x56: {  	v2 =	vld [tilespmem:s24+$0xFFFFFFB0];
	_ =	sdelay $0x2  }
0x57: {  	[tilespmem:s25+$0x9F10] =	vst v3  }
0x58: {  	v3 =	vld [tilespmem:s26+$0xFFFFFF90]  }
0x59: {  	[tilespmem:s23+$0x9F40] =	vst v2  }
0x5a: {  	v2 =	vld [tilespmem:s24+$0xFFFFFFC0]  }
0x5b: {  	s28 =	simm.s32 $0x3230  }
0x5c: {  	v4 =	vld [tilespmem:s28+$0xFFFFFF70]  }
0x5d: {  	[tilespmem:s25+$0x9F20] =	vst v3  }
0x5e: {  	s8 =	simm.s32 $0x100;
	s9 =	simm.s32 $0x1000;
	v3 =	vld [tilespmem:s26+$0xFFFFFFA0]  }
0x5f: {  	s2 =	sand.u32 $0x4000, s9;
	s1 =	sand.u32 $0x380, s8;
	[tilespmem:s23+$0x9F50] =	vst v2  }
0x60: {  	s29 =	sor.u32 s1, s2;
	v2 =	vld [tilespmem:s24+$0xFFFFFFD0]  }
0x61: {  	[tilespmem:s29+$0x9F00] =	vst v4  }
0x62: {  	v4 =	vld [tilespmem:s28+$0xFFFFFF80]  }
0x63: {  	[tilespmem:s25+$0x9F30] =	vst v3  }
0x64: {  	v3 =	vld [tilespmem:s26+$0xFFFFFFB0]  }
0x65: {  	[tilespmem:s23+$0x9F60] =	vst v2  }
0x66: {  	v2 =	vld [tilespmem:s24+$0xFFFFFFE0]  }
0x67: {  	[tilespmem:s29+$0x9F10] =	vst v4  }
0x68: {  	v4 =	vld [tilespmem:s28+$0xFFFFFF90]  }
0x69: {  	[tilespmem:s25+$0x9F40] =	vst v3  }
0x6a: {  	s30 =	simm.s32 $0x3A00;
	v3 =	vld [tilespmem:s26+$0xFFFFFFC0]  }
0x6b: {  	s10 =	sand.u32 $0x7FF0, s0;
	[tilespmem:s23+$0x9F70] =	vst v2;
	v2 =	vld [tilespmem:s30+$0xFFFFFF70]  }
0x6c: {  	v5 =	vld [tilespmem:s10+$0x2280]  }
0x6d: {  	s11 =	simm.s32 $0x180;
	s12 =	simm.s32 $0x1800;
	[tilespmem:s29+$0x9F20] =	vst v4  }
0x6e: {  	s1 =	sand.u32 $0x4000, s12;
	s0 =	sand.u32 $0x380, s11;
	v4 =	vld [tilespmem:s28+$0xFFFFFFA0]  }
0x6f: {  	s31 =	sor.u32 s0, s1;
	[tilespmem:s25+$0x9F50] =	vst v3  }
0x70: {  	v3 =	vld [tilespmem:s26+$0xFFFFFFD0];
	[tilespmem:s31+$0x9F00] =	vst v2  }
0x71: {  	v2 =	vld [tilespmem:s30+$0xFFFFFF80];
	[tilespmem:s23+$0xA300] =	vst v5  }
0x72: {  	v5 =	vld [tilespmem:s24+$0x0]  }
0x73: {  	[tilespmem:s29+$0x9F30] =	vst v4  }
0x74: {  	v4 =	vld [tilespmem:s28+$0xFFFFFFB0]  }
0x75: {  	[tilespmem:s25+$0x9F60] =	vst v3  }
0x76: {  	v3 =	vld [tilespmem:s26+$0xFFFFFFE0];
	[tilespmem:s31+$0x9F10] =	vst v2  }
0x77: {  	v2 =	vld [tilespmem:s30+$0xFFFFFF90];
	[tilespmem:s23+$0xA310] =	vst v5  }
0x78: {  	v5 =	vld [tilespmem:s24+$0x10]  }
0x79: {  	[tilespmem:s29+$0x9F40] =	vst v4  }
0x7a: {  	s18 =	simm.s32 $0x7D0;
	s2 =	simm.s32 $0x41D0;
	v4 =	vld [tilespmem:s28+$0xFFFFFFC0]  }
0x7b: {  	s0 =	sand.u32 $0x7FF0, s18;
	[tilespmem:s25+$0x9F70] =	vst v3;
	v3 =	vld [tilespmem:s2+$0xFFFFFF70]  }
0x7c: {  	[tilespmem:s31+$0x9F20] =	vst v2;
	v2 =	vld [tilespmem:s0+$0x2280]  }
0x7d: {  	s6 =	simm.s32 $0x200;
	s9 =	simm.s32 $0x2000;
	v6 =	vld [tilespmem:s30+$0xFFFFFFA0];
	[tilespmem:s23+$0xA320] =	vst v5  }
0x7e: {  	s20 =	sand.u32 $0x380, s6;
	s19 =	sand.u32 $0x4000, s9;
	v5 =	vld [tilespmem:s24+$0x20]  }
0x7f: {  	[tilespmem:s29+$0x9F50] =	vst v4;
	s0 =	sor.u32 s20, s19  }
0x80: {  	v4 =	vld [tilespmem:s28+$0xFFFFFFD0];
	[tilespmem:s0+$0x9F00] =	vst v3  }
0x81: {  	v3 =	vld [tilespmem:s2+$0xFFFFFF80];
	[tilespmem:s25+$0xA300] =	vst v2  }
0x82: {  	[tilespmem:s31+$0x9F30] =	vst v6;
	v2 =	vld [tilespmem:s26+$0x0]  }
0x83: {  	v6 =	vld [tilespmem:s30+$0xFFFFFFB0];
	[tilespmem:s23+$0xA330] =	vst v5  }
0x84: {  	v7 =	vld [tilespmem:s24+$0x30]  }
0x85: {  	[tilespmem:s29+$0x9F60] =	vst v4  }
0x86: {  	v4 =	vld [tilespmem:s28+$0xFFFFFFE0];
	[tilespmem:s0+$0x9F10] =	vst v3  }
0x87: {  	v8 =	vld [tilespmem:s2+$0xFFFFFF90];
	[tilespmem:s25+$0xA310] =	vst v2  }
0x88: {  	[tilespmem:s31+$0x9F40] =	vst v6;
	v3 =	vld [tilespmem:s26+$0x10]  }
0x89: {  	v5 =	vld [tilespmem:s30+$0xFFFFFFC0];
	[tilespmem:s23+$0xA340] =	vst v7  }
0x8a: {  	s8 =	simm.s32 $0xFA0;
	s1 =	simm.s32 $0x49A0;
	v2 =	vld [tilespmem:s24+$0x40]  }
0x8b: {  	s11 =	simm.s32 $0x1770;
	[tilespmem:s29+$0x9F70] =	vst v4;
	s19 =	sand.u32 $0x7FF0, s8;
	v6 =	vld [tilespmem:s1+$0xFFFFFF70]  }
0x8c: {  	s18 =	simm.s32 $0x2EE0;
	s10 =	simm.s32 $0x1F40;
	s8 =	simm.s32 $0x2710;
	v4 =	vld [tilespmem:s19+$0x2280];
	[tilespmem:s0+$0x9F20] =	vst v8  }
.LBB2_5:
0x8d: {  	p0 =	sne.s32 s18, $0x7530;
	v7 =	vld [tilespmem:s2+$0xFFFFFFA0];
	s6 =	sadd.s32 $0x80, s6;
	s9 =	sadd.s32 $0x800, s9;
	[tilespmem:s25+$0xA320] =	vst v3  }
0x8e: {  	s12 =	smov.u32 s0;
	s19 =	sand.u32 $0x4000, s9;
	s20 =	sand.u32 $0x380, s6;
	[tilespmem:s31+$0x9F50] =	vst v5;
	v3 =	vld [tilespmem:s26+$0x20]  }
0x8f: {  	s0 =	sor.u32 s20, s19;
	v5 =	vld [tilespmem:s30+$0xFFFFFFD0];
	[tilespmem:s23+$0xA350] =	vst v2;
	s19 =	smov.u32 s11;
	s11 =	smov.u32 s10  }
0x90: {  	s10 =	smov.u32 s8;
	s8 =	smov.u32 s18;
	[tilespmem:s0+$0x9F00] =	vst v6;
	v2 =	vld [tilespmem:s24+$0x50]  }
0x91: {  	v6 =	vld [tilespmem:s1+$0xFFFFFF80];
	[tilespmem:s29+$0xA300] =	vst v4  }
0x92: {  	[tilespmem:s12+$0x9F30] =	vst v7;
	v4 =	vld [tilespmem:s28+$0x0]  }
0x93: {  	v7 =	vld [tilespmem:s2+$0xFFFFFFB0];
	[tilespmem:s25+$0xA330] =	vst v3  }
0x94: {  	[tilespmem:s31+$0x9F60] =	vst v5;
	v8 =	vld [tilespmem:s26+$0x30]  }
0x95: {  	v9 =	vld [tilespmem:s30+$0xFFFFFFE0];
	[tilespmem:s23+$0xA360] =	vst v2  }
0x96: {  	[tilespmem:s0+$0x9F10] =	vst v6;
	v10 =	vld [tilespmem:s24+$0x60];
	s24 =	smov.u32 s26;
	s26 =	smov.u32 s28;
	s28 =	smov.u32 s30  }
0x97: {  	s30 =	smov.u32 s2;
	s2 =	smov.u32 s1;
	v11 =	vld [tilespmem:s1+$0xFFFFFF90];
	[tilespmem:s29+$0xA310] =	vst v4  }
.Ltmp3:
0x98: {  	[tilespmem:s12+$0x9F40] =	vst v7;
	v3 =	vld [tilespmem:s26+$0x10];
	(pc) =	sbr.rel @p0 .LBB2_5-.Ltmp3, $4  }
0x99: {  	v5 =	vld [tilespmem:s30+$0xFFFFFFC0];
	[tilespmem:s25+$0xA340] =	vst v8  }
0x9a: {  	s1 =	sadd.s32 $0x7D0, s1;
	[tilespmem:s31+$0x9F70] =	vst v9;
	v2 =	vld [tilespmem:s24+$0x40]  }
0x9b: {  	s19 =	sand.u32 $0x7FF0, s19;
	v6 =	vld [tilespmem:s1+$0xFFFFFF70];
	[tilespmem:s23+$0xA370] =	vst v10;
	s23 =	smov.u32 s25;
	s25 =	smov.u32 s29  }
0x9c: {  	s18 =	sadd.s32 $0x7D0, s18;
	s29 =	smov.u32 s31;
	s31 =	smov.u32 s12;
	[tilespmem:s0+$0x9F20] =	vst v11;
	v4 =	vld [tilespmem:s19+$0x2280]  }
0x9d: {  	s6 =	sadd.s32 $0x80, s6;
	s9 =	sadd.s32 $0x800, s9  }
0x9e: {  	s9 =	sand.u32 $0x4000, s9;
	s6 =	sand.u32 $0x380, s6  }
0x9f: {  	s6 =	sor.u32 s6, s9  }
0xa0: {  	[tilespmem:s6+$0x9F00] =	vst v6  }
0xa1: {  	v6 =	vld [tilespmem:s1+$0xFFFFFF80];
	_ =	sdelay $0x4  }
0xa2: {  	[tilespmem:s6+$0x9F10] =	vst v6  }
0xa3: {  	v6 =	vld [tilespmem:s1+$0xFFFFFF90];
	_ =	sdelay $0x3  }
0xa4: {  	v7 =	vld [tilespmem:s2+$0xFFFFFFA0]  }
0xa5: {  	[tilespmem:s6+$0x9F20] =	vst v6  }
0xa6: {  	v6 =	vld [tilespmem:s1+$0xFFFFFFA0];
	_ =	sdelay $0x2  }
0xa7: {  	[tilespmem:s0+$0x9F30] =	vst v7  }
0xa8: {  	v7 =	vld [tilespmem:s2+$0xFFFFFFB0]  }
0xa9: {  	[tilespmem:s6+$0x9F30] =	vst v6  }
0xaa: {  	v6 =	vld [tilespmem:s1+$0xFFFFFFB0];
	_ =	sdelay $0x2  }
0xab: {  	[tilespmem:s0+$0x9F40] =	vst v7  }
0xac: {  	v7 =	vld [tilespmem:s2+$0xFFFFFFC0]  }
0xad: {  	[tilespmem:s6+$0x9F40] =	vst v6  }
0xae: {  	v6 =	vld [tilespmem:s1+$0xFFFFFFC0];
	_ =	sdelay $0x1  }
0xaf: {  	[tilespmem:s31+$0x9F50] =	vst v5  }
0xb0: {  	v5 =	vld [tilespmem:s30+$0xFFFFFFD0];
	[tilespmem:s0+$0x9F50] =	vst v7  }
0xb1: {  	v7 =	vld [tilespmem:s2+$0xFFFFFFD0]  }
0xb2: {  	[tilespmem:s6+$0x9F50] =	vst v6  }
0xb3: {  	v6 =	vld [tilespmem:s1+$0xFFFFFFD0];
	_ =	sdelay $0x1  }
0xb4: {  	[tilespmem:s31+$0x9F60] =	vst v5  }
0xb5: {  	v5 =	vld [tilespmem:s30+$0xFFFFFFE0];
	[tilespmem:s0+$0x9F60] =	vst v7  }
0xb6: {  	v7 =	vld [tilespmem:s2+$0xFFFFFFE0]  }
0xb7: {  	[tilespmem:s6+$0x9F60] =	vst v6  }
0xb8: {  	v6 =	vld [tilespmem:s1+$0xFFFFFFE0];
	_ =	sdelay $0x1  }
0xb9: {  	s19 =	sand.u32 $0x7FF0, s11;
	[tilespmem:s31+$0x9F70] =	vst v5  }
0xba: {  	s20 =	sand.u32 $0x7FF0, s10;
	v5 =	vld [tilespmem:s19+$0x2280];
	[tilespmem:s0+$0x9F70] =	vst v7  }
0xbb: {  	v7 =	vld [tilespmem:s20+$0x2280]  }
0xbc: {  	s8 =	sand.u32 $0x7FF0, s8;
	[tilespmem:s6+$0x9F70] =	vst v6  }
0xbd: {  	v6 =	vld [tilespmem:s8+$0x2280]  }
0xbe: {  	[tilespmem:s29+$0xA300] =	vst v4  }
0xbf: {  	v4 =	vld [tilespmem:s28+$0x0];
	[tilespmem:s31+$0xA300] =	vst v5  }
0xc0: {  	v5 =	vld [tilespmem:s30+$0x0];
	[tilespmem:s0+$0xA300] =	vst v7  }
0xc1: {  	v7 =	vld [tilespmem:s2+$0x0]  }
0xc2: {  	[tilespmem:s6+$0xA300] =	vst v6  }
0xc3: {  	v6 =	vld [tilespmem:s1+$0x0]  }
0xc4: {  	[tilespmem:s29+$0xA310] =	vst v4  }
0xc5: {  	v4 =	vld [tilespmem:s28+$0x10];
	[tilespmem:s31+$0xA310] =	vst v5  }
0xc6: {  	v5 =	vld [tilespmem:s30+$0x10];
	[tilespmem:s0+$0xA310] =	vst v7  }
0xc7: {  	v7 =	vld [tilespmem:s2+$0x10]  }
0xc8: {  	[tilespmem:s6+$0xA310] =	vst v6  }
0xc9: {  	[tilespmem:s25+$0xA320] =	vst v3;
	v6 =	vld [tilespmem:s1+$0x10]  }
0xca: {  	v3 =	vld [tilespmem:s26+$0x20];
	[tilespmem:s29+$0xA320] =	vst v4  }
0xcb: {  	v4 =	vld [tilespmem:s28+$0x20];
	[tilespmem:s31+$0xA320] =	vst v5  }
0xcc: {  	v5 =	vld [tilespmem:s30+$0x20];
	[tilespmem:s0+$0xA320] =	vst v7  }
0xcd: {  	v7 =	vld [tilespmem:s2+$0x20]  }
0xce: {  	[tilespmem:s6+$0xA320] =	vst v6  }
0xcf: {  	[tilespmem:s25+$0xA330] =	vst v3;
	v6 =	vld [tilespmem:s1+$0x20]  }
0xd0: {  	v3 =	vld [tilespmem:s26+$0x30];
	[tilespmem:s29+$0xA330] =	vst v4  }
0xd1: {  	v4 =	vld [tilespmem:s28+$0x30];
	[tilespmem:s31+$0xA330] =	vst v5  }
0xd2: {  	v5 =	vld [tilespmem:s30+$0x30];
	[tilespmem:s0+$0xA330] =	vst v7  }
0xd3: {  	v7 =	vld [tilespmem:s2+$0x30]  }
0xd4: {  	[tilespmem:s6+$0xA330] =	vst v6  }
0xd5: {  	[tilespmem:s25+$0xA340] =	vst v3;
	v6 =	vld [tilespmem:s1+$0x30]  }
0xd6: {  	v3 =	vld [tilespmem:s26+$0x40];
	[tilespmem:s29+$0xA340] =	vst v4  }
0xd7: {  	v4 =	vld [tilespmem:s28+$0x40];
	[tilespmem:s31+$0xA340] =	vst v5  }
0xd8: {  	v5 =	vld [tilespmem:s30+$0x40];
	[tilespmem:s0+$0xA340] =	vst v7  }
0xd9: {  	[tilespmem:s23+$0xA350] =	vst v2;
	v7 =	vld [tilespmem:s2+$0x40]  }
0xda: {  	[tilespmem:s6+$0xA340] =	vst v6  }
0xdb: {  	[tilespmem:s25+$0xA350] =	vst v3;
	v2 =	vld [tilespmem:s1+$0x40]  }
0xdc: {  	v3 =	vld [tilespmem:s26+$0x50];
	[tilespmem:s29+$0xA350] =	vst v4  }
0xdd: {  	v4 =	vld [tilespmem:s28+$0x50];
	[tilespmem:s31+$0xA350] =	vst v5  }
0xde: {  	v5 =	vld [tilespmem:s30+$0x50];
	[tilespmem:s0+$0xA350] =	vst v7  }
0xdf: {  	v7 =	vld [tilespmem:s2+$0x50]  }
0xe0: {  	v6 =	vld [tilespmem:s24+$0x50];
	[tilespmem:s6+$0xA350] =	vst v2  }
0xe1: {  	[tilespmem:s25+$0xA360] =	vst v3;
	v2 =	vld [tilespmem:s1+$0x50]  }
0xe2: {  	v3 =	vld [tilespmem:s26+$0x60];
	[tilespmem:s29+$0xA360] =	vst v4  }
0xe3: {  	v4 =	vld [tilespmem:s28+$0x60];
	[tilespmem:s31+$0xA360] =	vst v5  }
0xe4: {  	v5 =	vld [tilespmem:s30+$0x60];
	[tilespmem:s0+$0xA360] =	vst v7  }
0xe5: {  	v7 =	vld [tilespmem:s2+$0x60];
	[tilespmem:s23+$0xA360] =	vst v6  }
0xe6: {  	v6 =	vld [tilespmem:s24+$0x60];
	[tilespmem:s6+$0xA360] =	vst v2  }
0xe7: {  	[tilespmem:s25+$0xA370] =	vst v3;
	v2 =	vld [tilespmem:s1+$0x60]  }
0xe8: {  	[tilespmem:s29+$0xA370] =	vst v4  }
0xe9: {  	[tilespmem:s31+$0xA370] =	vst v5  }
0xea: {  	[tilespmem:s0+$0xA370] =	vst v7  }
0xeb: {  	p0 =	seq.s32 s21, $0xF;
	s28 =	sshll.u32 s22, $0x8;
	[tilespmem:s23+$0xA370] =	vst v6  }
0xec: {  	s0 =	sadd.s32 s5, s28;
	s1 =	smul.u32 @!p0 $0x64, s22;
	[tilespmem:s6+$0xA370] =	vst v2  }
0xed: {  	[hbm4b:s0+s4] =	stream.linear.scatter [tilespmem:s15], [sflag:$0x3], $0x8000, $0x38;
	[tilespmem:$0x19F00] =	vst v63  }
0xee: {  	s0 =	sshrl.u32 @!p0 s1, $0x3  }
0xef: {  	s0 =	sadd.s32 @!p0 s3, s0  }
0xf0: {  	s2 =	simm.s32 @!p0 $0x1500;
	s1 =	simm.s32 @!p0 $0x0;
	s0 =	sadd.s32 @!p0 $0x190, s0  }
0xf1: {  	[tilespmem:s2], [sflag:$0x1] =	stream.linear.gather @!p0 [hbm4b:s0+s1], $0x640, $0x38;
	[tilespmem:$0x19F00] =	vst v63  }
0xf2: {  	_ =	swait.ge [sflag:s16], $0x640  }
0xf3: {  	[sflag:s16] =	ssyncset.done $0x0  }
0xf4: {  	s0 =	simm.s32 @!p1 $0x4;
	[sflag:s16] =	ssyncadd.s32 $0xFFFFF9C0  }
0xf5: {  	_ =	swait.ge @!p1 [sflag:s0], $0x8000  }
0xf6: {  	[sflag:s0] =	ssyncset.done @!p1 $0x0  }
0xf7: {  	s29 =	simm.s32 $0x1B80;
	[sflag:s0] =	ssyncadd.s32 @!p1 $0xFFFF8000  }
0xf8: {  	v2 =	vld [tilespmem:s29+$0x0];
	_ =	sdelay $0x3  }
0xf9: {  	s30 =	simm.s32 $0x1B90  }
0xfa: {  	v3 =	vld [tilespmem:s30+$0x0];
	vm0 =	vgt.s32 v2, $0x0  }
0xfb: {  	v2 =	vnsel vm0, $0x0, v2  }
0xfc: {  	v2 =	vmin.u32 v2, $0xFF  }
0xfd: {  	v2 =	vmul.u32 $0x15, v2;
	_ =	sdelay $0x1  }
0xfe: {  	s31 =	simm.s32 $0x1BA0;
	vm0 =	vgt.s32 v3, $0x0;
	v7 =	vadd.s32 $0x1, v2  }
0xff: {  	v4 =	vld [tilespmem:s31+$0x0];
	v3 =	vnsel vm0, $0x0, v3  }
0x100: {  	v3 =	vmin.u32 v3, $0xFF  }
0x101: {  	s0 =	simm.s32 $0x0;
	v5 =	vmul.u32 $0x15, v3  }
0x102: {  	v6 =	vadd.s32 s0, v0;
	v2 =	vld.idx.msk [tilespmem:v2+s0+$0x0], $0xffff  }
0x103: {  	s8 =	simm.s32 $0x1BB0;
	s22 =	sor.u32 $0x10, s22;
	v8 =	vadd.s32 $0x1, v5;
	v3 =	vld.idx.msk [tilespmem:v7+s0+$0x0], $0xffff;
	v7 =	vadd.s32 s0, v1  }
0x104: {  	s6 =	simm.s32 $0x3C0;
	s2 =	simm.s32 $0x140;
	s1 =	simm.s32 $0x280;
	vm0 =	vgt.s32 v4, $0x0  }
.LBB2_7:
0x105: {  	p1 =	sne.s32 s6, $0x7BC0;
	v9 =	vnsel vm0, $0x0, v4;
	v4 =	vld [tilespmem:s8+$0x0];
	s9 =	smov.u32 s6;
	s6 =	sadd.s32 $0x140, s6  }
.Ltmp4:
0x106: {  	v9 =	vmin.u32 v9, $0xFF;
	(pc) =	sbr.rel @p1 .LBB2_7-.Ltmp4, $4  }
0x107: {  	[tilespmem:v6+s14+$0x0] =	vst.idx.msk $0xffff, v2;
	v2 =	vld.idx.msk [tilespmem:v5+s0+$0x0], $0xffff;
	v5 =	vmul.u32 $0x15, v9  }
0x108: {  	v6 =	vadd.s32 s2, v0;
	[tilespmem:v7+s14+$0x0] =	vst.idx.msk $0xffff, v3;
	v3 =	vld.idx.msk [tilespmem:v8+s0+$0x0], $0xffff  }
0x109: {  	v7 =	vadd.s32 s2, v1;
	s2 =	smov.u32 s1;
	s1 =	smov.u32 s9;
	v8 =	vadd.s32 $0x1, v5  }
0x10a: {  	s8 =	sadd.s32 $0x10, s8;
	vm0 =	vgt.s32 v4, $0x0  }
0x10b: {  	v4 =	vnsel vm0, $0x0, v4  }
0x10c: {  	v4 =	vmin.u32 v4, $0xFF  }
0x10d: {  	v4 =	vmul.u32 $0x15, v4;
	_ =	sdelay $0x1  }
0x10e: {  	v9 =	vadd.s32 $0x1, v4;
	_ =	sdelay $0x1  }
0x10f: {  	v5 =	vld.idx.msk [tilespmem:v5+s0+$0x0], $0xffff;
	v10 =	vadd.s32 s2, v0  }
0x110: {  	v8 =	vld.idx.msk [tilespmem:v8+s0+$0x0], $0xffff;
	v11 =	vadd.s32 s2, v1  }
0x111: {  	v12 =	vadd.s32 s1, v0;
	v4 =	vld.idx.msk [tilespmem:v4+s0+$0x0], $0xffff  }
0x112: {  	[tilespmem:v6+s14+$0x0] =	vst.idx.msk $0xffff, v2;
	v6 =	vadd.s32 s1, v1;
	v2 =	vld.idx.msk [tilespmem:v9+s0+$0x0], $0xffff  }
0x113: {  	[tilespmem:v7+s14+$0x0] =	vst.idx.msk $0xffff, v3  }
0x114: {  	[tilespmem:v10+s14+$0x0] =	vst.idx.msk $0xffff, v5  }
0x115: {  	[tilespmem:v11+s14+$0x0] =	vst.idx.msk $0xffff, v8  }
0x116: {  	[tilespmem:v12+s14+$0x0] =	vst.idx.msk $0xffff, v4  }
0x117: {  	s24 =	simm.s32 $0x2290;
	[tilespmem:v6+s14+$0x0] =	vst.idx.msk $0xffff, v2  }
0x118: {  	v2 =	vld [tilespmem:s24+$0xFFFFFF70];
	_ =	sdelay $0x2  }
0x119: {  	s23 =	sand.u32 $0x4000, s0;
	s25 =	sand.u32 $0x380, s0  }
0x11a: {  	s1 =	sor.u32 s25, s23  }
0x11b: {  	[tilespmem:s1+$0x11F00] =	vst v2  }
0x11c: {  	v2 =	vld [tilespmem:s24+$0xFFFFFF80];
	_ =	sdelay $0x3  }
0x11d: {  	s23 =	sadd.s32 $0x11F00, s1  }
0x11e: {  	[tilespmem:s23+$0x10] =	vst v2  }
0x11f: {  	v2 =	vld [tilespmem:s24+$0xFFFFFF90];
	_ =	sdelay $0x2  }
0x120: {  	s25 =	simm.s32 $0x2A60  }
0x121: {  	v3 =	vld [tilespmem:s25+$0xFFFFFF70]  }
0x122: {  	[tilespmem:s23+$0x20] =	vst v2  }
0x123: {  	s26 =	simm.s32 $0x80;
	s6 =	simm.s32 $0x800;
	v2 =	vld [tilespmem:s24+$0xFFFFFFA0]  }
0x124: {  	s2 =	sand.u32 $0x4000, s6;
	s1 =	sand.u32 $0x380, s26  }
0x125: {  	s1 =	sor.u32 s1, s2  }
0x126: {  	[tilespmem:s1+$0x11F00] =	vst v3  }
0x127: {  	v3 =	vld [tilespmem:s25+$0xFFFFFF80]  }
0x128: {  	[tilespmem:s23+$0x30] =	vst v2  }
0x129: {  	v2 =	vld [tilespmem:s24+$0xFFFFFFB0];
	_ =	sdelay $0x1  }
0x12a: {  	s26 =	sadd.s32 $0x11F00, s1  }
0x12b: {  	[tilespmem:s26+$0x10] =	vst v3  }
0x12c: {  	v3 =	vld [tilespmem:s25+$0xFFFFFF90]  }
0x12d: {  	[tilespmem:s23+$0x40] =	vst v2  }
0x12e: {  	v2 =	vld [tilespmem:s24+$0xFFFFFFC0]  }
0x12f: {  	s28 =	simm.s32 $0x3230  }
0x130: {  	v4 =	vld [tilespmem:s28+$0xFFFFFF70]  }
0x131: {  	[tilespmem:s26+$0x20] =	vst v3  }
0x132: {  	s8 =	simm.s32 $0x100;
	s9 =	simm.s32 $0x1000;
	v3 =	vld [tilespmem:s25+$0xFFFFFFA0]  }
0x133: {  	s2 =	sand.u32 $0x4000, s9;
	s1 =	sand.u32 $0x380, s8;
	[tilespmem:s23+$0x50] =	vst v2  }
0x134: {  	s1 =	sor.u32 s1, s2;
	v2 =	vld [tilespmem:s24+$0xFFFFFFD0]  }
0x135: {  	[tilespmem:s1+$0x11F00] =	vst v4  }
0x136: {  	v4 =	vld [tilespmem:s28+$0xFFFFFF80]  }
0x137: {  	[tilespmem:s26+$0x30] =	vst v3  }
0x138: {  	v3 =	vld [tilespmem:s25+$0xFFFFFFB0]  }
0x139: {  	[tilespmem:s23+$0x60] =	vst v2  }
0x13a: {  	s29 =	sadd.s32 $0x11F00, s1;
	v2 =	vld [tilespmem:s24+$0xFFFFFFE0]  }
0x13b: {  	[tilespmem:s29+$0x10] =	vst v4  }
0x13c: {  	v4 =	vld [tilespmem:s28+$0xFFFFFF90]  }
0x13d: {  	[tilespmem:s26+$0x40] =	vst v3  }
0x13e: {  	s30 =	simm.s32 $0x3A00;
	v3 =	vld [tilespmem:s25+$0xFFFFFFC0]  }
0x13f: {  	s10 =	sand.u32 $0x7FF0, s0;
	[tilespmem:s23+$0x70] =	vst v2;
	v2 =	vld [tilespmem:s30+$0xFFFFFF70]  }
0x140: {  	v5 =	vld [tilespmem:s10+$0x2280]  }
0x141: {  	s11 =	simm.s32 $0x180;
	s12 =	simm.s32 $0x1800;
	[tilespmem:s29+$0x20] =	vst v4  }
0x142: {  	s0 =	sand.u32 $0x380, s11;
	s1 =	sand.u32 $0x4000, s12;
	v4 =	vld [tilespmem:s28+$0xFFFFFFA0]  }
0x143: {  	s0 =	sor.u32 s0, s1;
	[tilespmem:s26+$0x50] =	vst v3  }
0x144: {  	v3 =	vld [tilespmem:s25+$0xFFFFFFD0];
	[tilespmem:s0+$0x11F00] =	vst v2  }
0x145: {  	v2 =	vld [tilespmem:s30+$0xFFFFFF80];
	[tilespmem:s23+$0x400] =	vst v5  }
0x146: {  	v5 =	vld [tilespmem:s24+$0x0]  }
0x147: {  	[tilespmem:s29+$0x30] =	vst v4  }
0x148: {  	v4 =	vld [tilespmem:s28+$0xFFFFFFB0]  }
0x149: {  	s31 =	sadd.s32 $0x11F00, s0;
	[tilespmem:s26+$0x60] =	vst v3  }
0x14a: {  	v3 =	vld [tilespmem:s25+$0xFFFFFFE0];
	[tilespmem:s31+$0x10] =	vst v2  }
0x14b: {  	v2 =	vld [tilespmem:s30+$0xFFFFFF90];
	[tilespmem:s23+$0x410] =	vst v5  }
0x14c: {  	v5 =	vld [tilespmem:s24+$0x10]  }
0x14d: {  	[tilespmem:s29+$0x40] =	vst v4  }
0x14e: {  	s18 =	simm.s32 $0x7D0;
	s2 =	simm.s32 $0x41D0;
	v4 =	vld [tilespmem:s28+$0xFFFFFFC0]  }
0x14f: {  	[tilespmem:s26+$0x70] =	vst v3;
	v3 =	vld [tilespmem:s2+$0xFFFFFF70];
	s0 =	sand.u32 $0x7FF0, s18  }
0x150: {  	[tilespmem:s31+$0x20] =	vst v2;
	v2 =	vld [tilespmem:s0+$0x2280]  }
0x151: {  	s6 =	simm.s32 $0x2000;
	s9 =	simm.s32 $0x200;
	v6 =	vld [tilespmem:s30+$0xFFFFFFA0];
	[tilespmem:s23+$0x420] =	vst v5  }
0x152: {  	s19 =	sand.u32 $0x4000, s6;
	s20 =	sand.u32 $0x380, s9;
	v5 =	vld [tilespmem:s24+$0x20]  }
0x153: {  	[tilespmem:s29+$0x50] =	vst v4;
	s0 =	sor.u32 s20, s19  }
0x154: {  	v4 =	vld [tilespmem:s28+$0xFFFFFFD0];
	[tilespmem:s0+$0x11F00] =	vst v3  }
0x155: {  	v3 =	vld [tilespmem:s2+$0xFFFFFF80];
	[tilespmem:s26+$0x400] =	vst v2  }
0x156: {  	[tilespmem:s31+$0x30] =	vst v6;
	v2 =	vld [tilespmem:s25+$0x0]  }
0x157: {  	v6 =	vld [tilespmem:s30+$0xFFFFFFB0];
	[tilespmem:s23+$0x430] =	vst v5  }
0x158: {  	v7 =	vld [tilespmem:s24+$0x30]  }
0x159: {  	[tilespmem:s29+$0x60] =	vst v4;
	s1 =	sadd.s32 $0x11F00, s0  }
0x15a: {  	v4 =	vld [tilespmem:s28+$0xFFFFFFE0];
	[tilespmem:s1+$0x10] =	vst v3  }
0x15b: {  	v8 =	vld [tilespmem:s2+$0xFFFFFF90];
	[tilespmem:s26+$0x410] =	vst v2  }
0x15c: {  	[tilespmem:s31+$0x40] =	vst v6;
	v3 =	vld [tilespmem:s25+$0x10]  }
0x15d: {  	v5 =	vld [tilespmem:s30+$0xFFFFFFC0];
	[tilespmem:s23+$0x440] =	vst v7  }
0x15e: {  	s10 =	simm.s32 $0xFA0;
	s0 =	simm.s32 $0x49A0;
	v2 =	vld [tilespmem:s24+$0x40]  }
0x15f: {  	s11 =	simm.s32 $0x2710;
	s12 =	sand.u32 $0x7FF0, s10;
	[tilespmem:s29+$0x70] =	vst v4;
	v6 =	vld [tilespmem:s0+$0xFFFFFF70]  }
0x160: {  	s8 =	simm.s32 $0x1770;
	s10 =	simm.s32 $0x1F40;
	s18 =	simm.s32 $0x2EE0;
	v4 =	vld [tilespmem:s12+$0x2280];
	[tilespmem:s1+$0x20] =	vst v8  }
.LBB2_9:
0x161: {  	p1 =	sne.s32 s18, $0x7530;
	v7 =	vld [tilespmem:s2+$0xFFFFFFA0];
	s9 =	sadd.s32 $0x80, s9;
	s6 =	sadd.s32 $0x800, s6;
	[tilespmem:s26+$0x420] =	vst v3  }
0x162: {  	s20 =	smov.u32 s1;
	s12 =	sand.u32 $0x4000, s6;
	s19 =	sand.u32 $0x380, s9;
	[tilespmem:s31+$0x50] =	vst v5;
	v3 =	vld [tilespmem:s25+$0x20]  }
0x163: {  	s1 =	sor.u32 s19, s12;
	v5 =	vld [tilespmem:s30+$0xFFFFFFD0];
	[tilespmem:s23+$0x450] =	vst v2;
	s12 =	smov.u32 s8;
	s8 =	smov.u32 s10  }
0x164: {  	s10 =	smov.u32 s11;
	s11 =	smov.u32 s18;
	[tilespmem:s1+$0x11F00] =	vst v6;
	v2 =	vld [tilespmem:s24+$0x50]  }
0x165: {  	v6 =	vld [tilespmem:s0+$0xFFFFFF80];
	[tilespmem:s29+$0x400] =	vst v4  }
0x166: {  	[tilespmem:s20+$0x30] =	vst v7;
	v4 =	vld [tilespmem:s28+$0x0]  }
0x167: {  	v7 =	vld [tilespmem:s2+$0xFFFFFFB0];
	[tilespmem:s26+$0x430] =	vst v3  }
0x168: {  	[tilespmem:s31+$0x60] =	vst v5;
	v8 =	vld [tilespmem:s25+$0x30]  }
0x169: {  	s1 =	sadd.s32 $0x11F00, s1;
	v9 =	vld [tilespmem:s30+$0xFFFFFFE0];
	[tilespmem:s23+$0x460] =	vst v2  }
0x16a: {  	[tilespmem:s1+$0x10] =	vst v6;
	v10 =	vld [tilespmem:s24+$0x60];
	s24 =	smov.u32 s25;
	s25 =	smov.u32 s28;
	s28 =	smov.u32 s30  }
0x16b: {  	s30 =	smov.u32 s2;
	s2 =	smov.u32 s0;
	v11 =	vld [tilespmem:s0+$0xFFFFFF90];
	[tilespmem:s29+$0x410] =	vst v4  }
.Ltmp5:
0x16c: {  	[tilespmem:s20+$0x40] =	vst v7;
	v3 =	vld [tilespmem:s25+$0x10];
	(pc) =	sbr.rel @p1 .LBB2_9-.Ltmp5, $4  }
0x16d: {  	v5 =	vld [tilespmem:s30+$0xFFFFFFC0];
	[tilespmem:s26+$0x440] =	vst v8  }
0x16e: {  	s0 =	sadd.s32 $0x7D0, s0;
	[tilespmem:s31+$0x70] =	vst v9;
	v2 =	vld [tilespmem:s24+$0x40]  }
0x16f: {  	s12 =	sand.u32 $0x7FF0, s12;
	v6 =	vld [tilespmem:s0+$0xFFFFFF70];
	[tilespmem:s23+$0x470] =	vst v10;
	s23 =	smov.u32 s26;
	s26 =	smov.u32 s29  }
0x170: {  	s18 =	sadd.s32 $0x7D0, s18;
	s29 =	smov.u32 s31;
	s31 =	smov.u32 s20;
	[tilespmem:s1+$0x20] =	vst v11;
	v4 =	vld [tilespmem:s12+$0x2280]  }
0x171: {  	s9 =	sadd.s32 $0x80, s9;
	s6 =	sadd.s32 $0x800, s6  }
0x172: {  	s6 =	sand.u32 $0x4000, s6;
	s9 =	sand.u32 $0x380, s9  }
0x173: {  	s6 =	sor.u32 s9, s6  }
0x174: {  	[tilespmem:s6+$0x11F00] =	vst v6  }
0x175: {  	v6 =	vld [tilespmem:s0+$0xFFFFFF80];
	_ =	sdelay $0x3  }
0x176: {  	s6 =	sadd.s32 $0x11F00, s6  }
0x177: {  	[tilespmem:s6+$0x10] =	vst v6  }
0x178: {  	v6 =	vld [tilespmem:s0+$0xFFFFFF90];
	_ =	sdelay $0x3  }
0x179: {  	v7 =	vld [tilespmem:s2+$0xFFFFFFA0]  }
0x17a: {  	[tilespmem:s6+$0x20] =	vst v6  }
0x17b: {  	v6 =	vld [tilespmem:s0+$0xFFFFFFA0];
	_ =	sdelay $0x2  }
0x17c: {  	[tilespmem:s1+$0x30] =	vst v7  }
0x17d: {  	v7 =	vld [tilespmem:s2+$0xFFFFFFB0]  }
0x17e: {  	[tilespmem:s6+$0x30] =	vst v6  }
0x17f: {  	v6 =	vld [tilespmem:s0+$0xFFFFFFB0];
	_ =	sdelay $0x2  }
0x180: {  	[tilespmem:s1+$0x40] =	vst v7  }
0x181: {  	v7 =	vld [tilespmem:s2+$0xFFFFFFC0]  }
0x182: {  	[tilespmem:s6+$0x40] =	vst v6  }
0x183: {  	v6 =	vld [tilespmem:s0+$0xFFFFFFC0];
	_ =	sdelay $0x1  }
0x184: {  	[tilespmem:s31+$0x50] =	vst v5  }
0x185: {  	v5 =	vld [tilespmem:s30+$0xFFFFFFD0];
	[tilespmem:s1+$0x50] =	vst v7  }
0x186: {  	v7 =	vld [tilespmem:s2+$0xFFFFFFD0]  }
0x187: {  	[tilespmem:s6+$0x50] =	vst v6  }
0x188: {  	v6 =	vld [tilespmem:s0+$0xFFFFFFD0];
	_ =	sdelay $0x1  }
0x189: {  	[tilespmem:s31+$0x60] =	vst v5  }
0x18a: {  	v5 =	vld [tilespmem:s30+$0xFFFFFFE0];
	[tilespmem:s1+$0x60] =	vst v7  }
0x18b: {  	v7 =	vld [tilespmem:s2+$0xFFFFFFE0]  }
0x18c: {  	[tilespmem:s6+$0x60] =	vst v6  }
0x18d: {  	v6 =	vld [tilespmem:s0+$0xFFFFFFE0];
	_ =	sdelay $0x1  }
0x18e: {  	s8 =	sand.u32 $0x7FF0, s8;
	[tilespmem:s31+$0x70] =	vst v5  }
0x18f: {  	s19 =	sand.u32 $0x7FF0, s10;
	v5 =	vld [tilespmem:s8+$0x2280];
	[tilespmem:s1+$0x70] =	vst v7  }
0x190: {  	v7 =	vld [tilespmem:s19+$0x2280]  }
0x191: {  	s20 =	sand.u32 $0x7FF0, s11;
	[tilespmem:s6+$0x70] =	vst v6  }
0x192: {  	v6 =	vld [tilespmem:s20+$0x2280]  }
0x193: {  	[tilespmem:s29+$0x400] =	vst v4  }
0x194: {  	v4 =	vld [tilespmem:s28+$0x0];
	[tilespmem:s31+$0x400] =	vst v5  }
0x195: {  	v5 =	vld [tilespmem:s30+$0x0];
	[tilespmem:s1+$0x400] =	vst v7  }
0x196: {  	v7 =	vld [tilespmem:s2+$0x0]  }
0x197: {  	[tilespmem:s6+$0x400] =	vst v6  }
0x198: {  	v6 =	vld [tilespmem:s0+$0x0]  }
0x199: {  	[tilespmem:s29+$0x410] =	vst v4  }
0x19a: {  	v4 =	vld [tilespmem:s28+$0x10];
	[tilespmem:s31+$0x410] =	vst v5  }
0x19b: {  	v5 =	vld [tilespmem:s30+$0x10];
	[tilespmem:s1+$0x410] =	vst v7  }
0x19c: {  	v7 =	vld [tilespmem:s2+$0x10]  }
0x19d: {  	[tilespmem:s6+$0x410] =	vst v6  }
0x19e: {  	[tilespmem:s26+$0x420] =	vst v3;
	v6 =	vld [tilespmem:s0+$0x10]  }
0x19f: {  	v3 =	vld [tilespmem:s25+$0x20];
	[tilespmem:s29+$0x420] =	vst v4  }
0x1a0: {  	v4 =	vld [tilespmem:s28+$0x20];
	[tilespmem:s31+$0x420] =	vst v5  }
0x1a1: {  	v5 =	vld [tilespmem:s30+$0x20];
	[tilespmem:s1+$0x420] =	vst v7  }
0x1a2: {  	v7 =	vld [tilespmem:s2+$0x20]  }
0x1a3: {  	[tilespmem:s6+$0x420] =	vst v6  }
0x1a4: {  	[tilespmem:s26+$0x430] =	vst v3;
	v6 =	vld [tilespmem:s0+$0x20]  }
0x1a5: {  	v3 =	vld [tilespmem:s25+$0x30];
	[tilespmem:s29+$0x430] =	vst v4  }
0x1a6: {  	v4 =	vld [tilespmem:s28+$0x30];
	[tilespmem:s31+$0x430] =	vst v5  }
0x1a7: {  	v5 =	vld [tilespmem:s30+$0x30];
	[tilespmem:s1+$0x430] =	vst v7  }
0x1a8: {  	v7 =	vld [tilespmem:s2+$0x30]  }
0x1a9: {  	[tilespmem:s6+$0x430] =	vst v6  }
0x1aa: {  	[tilespmem:s26+$0x440] =	vst v3;
	v6 =	vld [tilespmem:s0+$0x30]  }
0x1ab: {  	v3 =	vld [tilespmem:s25+$0x40];
	[tilespmem:s29+$0x440] =	vst v4  }
0x1ac: {  	v4 =	vld [tilespmem:s28+$0x40];
	[tilespmem:s31+$0x440] =	vst v5  }
0x1ad: {  	v5 =	vld [tilespmem:s30+$0x40];
	[tilespmem:s1+$0x440] =	vst v7  }
0x1ae: {  	[tilespmem:s23+$0x450] =	vst v2;
	v7 =	vld [tilespmem:s2+$0x40]  }
0x1af: {  	[tilespmem:s6+$0x440] =	vst v6  }
0x1b0: {  	[tilespmem:s26+$0x450] =	vst v3;
	v2 =	vld [tilespmem:s0+$0x40]  }
0x1b1: {  	v3 =	vld [tilespmem:s25+$0x50];
	[tilespmem:s29+$0x450] =	vst v4  }
0x1b2: {  	v4 =	vld [tilespmem:s28+$0x50];
	[tilespmem:s31+$0x450] =	vst v5  }
0x1b3: {  	v5 =	vld [tilespmem:s30+$0x50];
	[tilespmem:s1+$0x450] =	vst v7  }
0x1b4: {  	v7 =	vld [tilespmem:s2+$0x50]  }
0x1b5: {  	v63 =	vld [tilespmem:s24+$0x50];
	[tilespmem:s6+$0x450] =	vst v2  }
0x1b6: {  	[tilespmem:s26+$0x460] =	vst v3;
	v2 =	vld [tilespmem:s0+$0x50]  }
0x1b7: {  	v3 =	vld [tilespmem:s25+$0x60];
	[tilespmem:s29+$0x460] =	vst v4  }
0x1b8: {  	v4 =	vld [tilespmem:s28+$0x60];
	[tilespmem:s31+$0x460] =	vst v5  }
0x1b9: {  	v5 =	vld [tilespmem:s30+$0x60];
	[tilespmem:s1+$0x460] =	vst v7  }
0x1ba: {  	[tilespmem:s23+$0x460] =	vst v63;
	v7 =	vld [tilespmem:s2+$0x60]  }
0x1bb: {  	v6 =	vld [tilespmem:s24+$0x60];
	[tilespmem:s6+$0x460] =	vst v2  }
0x1bc: {  	[tilespmem:s26+$0x470] =	vst v3;
	v2 =	vld [tilespmem:s0+$0x60]  }
0x1bd: {  	[tilespmem:s29+$0x470] =	vst v4  }
.Ltmp6:
0x1be: {  	[tilespmem:s31+$0x470] =	vst v5;
	(pc) =	sbr.rel @p0 .LBB2_12-.Ltmp6, $4  }
0x1bf: {  	[tilespmem:s1+$0x470] =	vst v7  }
0x1c0: {  	s31 =	sshll.u32 s22, $0x8;
	[tilespmem:s23+$0x470] =	vst v6  }
0x1c1: {  	s0 =	sadd.s32 s5, s31;
	[tilespmem:s6+$0x470] =	vst v2  }
0x1c2: {  	[hbm4b:s0+s4] =	stream.linear.scatter [tilespmem:s17], [sflag:$0x4], $0x8000, $0x38;
	[tilespmem:$0x19F00] =	vst v63  }
0x1c3: {  	s0 =	smul.u32 $0x64, s22  }
.Ltmp7:
0x1c4: {  	_ = 	snop;
	(pc) =	sbr.rel .LBB2_2-.Ltmp7, $4  }
0x1c5: {  	s0 =	sshrl.u32 s0, $0x3  }
0x1c6: {  	s0 =	sadd.s32 s3, s0  }
0x1c7: {  	s1 =	simm.s32 $0x1B80;
	s21 =	sadd.s32 $0x1, s21;
	s0 =	sadd.s32 $0x190, s0  }
0x1c8: {  	[tilespmem:s1], [sflag:$0x2] =	stream.linear.gather [hbm4b:s0+s4], $0x640, $0x38;
	[tilespmem:$0x19F00] =	vst v63  }
.LBB2_13:
0x1c9: {  	_ =	sfence.sel $0x180000  }
0x1ca: {  	[bflag:$0x0] =	sbarrier.arrive $0xFFFF  }
0x1cb: {  	_ =	strace $0x90000047  }
0x1cc: {  	s0 =	stileid.u32;
	[bflag:$0x2] =	sbarrier.arrive $0xFFFF  }
0x1cd: {  	p0 =	sne.s32 s0, $0x0;
	s0 =	rddreg [dreg:$0x3]  }
0x1ce: {  	s0 =	sadd.s32 @!p0 $0x100000, s0  }
0x1cf: {  	[sflag:s0] =	ssyncadd.tile.s32 @!p0 $0x1;
	_ =	shalt  }
.Lfunc_end2:
_tile_overlayer_lowered:
.L_overlay_start_2:
0x1d0: {  	(tag) =	ssettag $0x2  }
0x1d1: {  	s0 =	rddreg [dreg:$0x0];
	s2 =	stileid.u32  }
0x1d2: {  	s1 =	rddreg [dreg:$0x1];
	p0 =	sne.s32 s2, $0x0  }
0x1d3: {  	s3 =	rddreg [dreg:$0x2];
	[bflag:$0x3] =	sbarrier.arrive $0xFFFF;
	s2 =	simm.s32 @!p0 $0x1C05  }
0x1d4: {  	[timem:s3], [sflag:s2] =	dma.local @!p0 [hbm:s0], s1  }
0x1d5: {  	s0 =	simm.s32 @!p0 $0x5  }
0x1d6: {  	_ =	swait.ge @!p0 [sflag:s0], s1  }
0x1d7: {  	s1 =	ssub.s32 @!p0 $0x0, s1;
	[sflag:s0] =	ssyncset.done @!p0 $0x0  }
0x1d8: {  	[sflag:s0] =	ssyncadd.s32 @!p0 s1  }
0x1d9: {  	[bflag:$0x3] =	sbarrier.arrive $0xFFFF  }
0x1da: {  	_ =	shalt  }

</sc_bundles>
